<compile_context>
chip_gen: v7x
topology: tpu7x:2x2x1
jax: 0.10.2.dev20260603
libtpu: 0.0.44.dev20260713+nightly
codegen_flags: <defaults>
</compile_context>

<pallas_src>
import functools

import jax
import jax.numpy as jnp
from jax import lax
from jax.experimental import pallas as pl
from jax.experimental.pallas import tpu as pltpu
from jax.experimental.pallas import tpu_sc as plsc

_BS = 128
_OBJS = 4
_H = 200
_W = 200
_NSUB = 16
_BPS = _BS // _NSUB
_VPS = _BPS * _OBJS * 4
_NGRP = (_BPS * _OBJS) // 16


def _pdiv(a, b):
    r = 1.0 / b
    r = r * (2.0 - b * r)
    r = r * (2.0 - b * r)
    return a * r


def _giou_body(out_hbm, targ_hbm, wight_hbm, res_hbm, stage_hbm,
               idx_p, idx_t, pred_v, targ_v, wight_v,
               part_v, all_v, res_v, sem_p, sem_t):
    cid = lax.axis_index("c")
    sid = lax.axis_index("s")
    lanes = lax.iota(jnp.int32, 16)

    @pl.when(cid == 0)
    def _work():
        for g in range(_NGRP):
            pair = g * 16 + lanes
            b = sid * _BPS + lax.div(pair, _OBJS)
            o = lax.rem(pair, _OBJS)
            site = lax.rem(b, 50) * 4 + o
            row = lax.div(b, 50)
            for c in range(4):
                idx_p[pl.ds((g * 4 + c) * 16, 16)] = (
                    ((b * 4 + c) * _H + site) * 4 + row)
                idx_t[pl.ds((g * 4 + c) * 16, 16)] = b * 16 + o * 4 + c

        cp_p = pltpu.make_async_copy(out_hbm.at[idx_p], pred_v, sem_p)
        cp_t = pltpu.make_async_copy(targ_hbm.at[idx_t], targ_v, sem_t)
        cp_p.start()
        cp_t.start()
        pltpu.sync_copy(wight_hbm.at[pl.ds(sid * _VPS, _VPS)], wight_v)
        cp_p.wait()
        cp_t.wait()

        acc = jnp.zeros((16,), jnp.float32)
        for g in range(_NGRP):
            p = [pred_v[pl.ds((g * 4 + c) * 16, 16)] for c in range(4)]
            t = [targ_v[pl.ds((g * 4 + c) * 16, 16)] for c in range(4)]
            mn = [jnp.minimum(p[c], t[c]) for c in range(4)]
            mx = [jnp.maximum(p[c], t[c]) for c in range(4)]
            wh0 = jnp.maximum(mn[0] + mn[2] + 1.0, 0.0)
            wh1 = jnp.maximum(mn[1] + mn[3] + 1.0, 0.0)
            ewh0 = jnp.maximum(mx[0] + mx[2] + 1.0, 0.0)
            ewh1 = jnp.maximum(mx[1] + mx[3] + 1.0, 0.0)
            overlap = wh0 * wh1
            enclose = ewh0 * ewh1
            pred_area = (p[0] + p[2] + 1.0) * (p[1] + p[3] + 1.0)
            gt_area = (t[0] + t[2] + 1.0) * (t[1] + t[3] + 1.0)
            u = pred_area + gt_area - overlap
            ious = _pdiv(overlap, u)
            gious = ious - _pdiv(enclose - u, enclose)
            acc = acc + (1.0 - gious)

        accw = jnp.zeros((16,), jnp.float32)
        for i in range(_VPS // 16):
            accw = accw + wight_v[pl.ds(i * 16, 16)]

        part_v[0, :] = acc
        part_v[1, :] = accw
        pltpu.sync_copy(part_v, stage_hbm.at[sid])

        plsc.subcore_barrier()

        @pl.when(sid == 0)
        def _finalize():
            pltpu.sync_copy(stage_hbm, all_v)
            loss_l = jnp.zeros((16,), jnp.float32)
            w_l = jnp.zeros((16,), jnp.float32)
            for s in range(_NSUB):
                loss_l = loss_l + all_v[s, 0, :]
                w_l = w_l + all_v[s, 1, :]
            def hsum(v):
                for step in (1, 2, 4, 8):
                    res_v[...] = v
                    v = v + plsc.load_gather(res_v, [lanes ^ step])
                return v

            loss_t = hsum(loss_l)
            w_t = hsum(w_l)
            res_v[...] = wight_v[pl.ds(0, 16)]
            w0_b = plsc.load_gather(res_v, [lanes & 0])
            res_v[...] = _pdiv(4.0 * loss_t * w0_b, w_t)
            pltpu.sync_copy(res_v, res_hbm)


_sc_giou = functools.partial(
    pl.kernel,
    out_type=(jax.ShapeDtypeStruct((16,), jnp.float32),
              jax.ShapeDtypeStruct((_NSUB, 2, 16), jnp.float32)),
    mesh=plsc.VectorSubcoreMesh(core_axis_name="c", subcore_axis_name="s"),
    scratch_types=[
        pltpu.VMEM((_VPS,), jnp.int32),
        pltpu.VMEM((_VPS,), jnp.int32),
        pltpu.VMEM((_VPS,), jnp.float32),
        pltpu.VMEM((_VPS,), jnp.float32),
        pltpu.VMEM((_VPS,), jnp.float32),
        pltpu.VMEM((2, 16), jnp.float32),
        pltpu.VMEM((_NSUB, 2, 16), jnp.float32),
        pltpu.VMEM((16,), jnp.float32),
        pltpu.SemaphoreType.DMA,
        pltpu.SemaphoreType.DMA,
    ],
    compiler_params=pltpu.CompilerParams(needs_layout_passes=False),
)(_giou_body)


def kernel(output, gt_mask, ind, target, wight_):
    del gt_mask, ind
    out, _ = _sc_giou(output[:, :, :, :4].reshape(-1),
                      target.reshape(-1), wight_.reshape(-1))
    return out[0]

# --- scband reference (transcript-rebuilt; emitter-appended) ---
"""Pipeline reference for scband-gio-uloss-57200374448148 (READ-ONLY COPY).

The authoritative reference and input builder live on the scoring server;
editing this copy changes nothing except your own understanding.
"""

import jax, jax.numpy as jnp
import numpy as np


def setup_inputs(seed: int = 0) -> dict:
    key = jax.random.key(seed)
    k1, k2, k3 = jax.random.split(key, 3)
    bs, objs, h, w = 128, 4, 200, 200
    output = jax.random.normal(k1, (bs, objs, h, w), dtype=jnp.float32)
    gt_mask = jnp.ones((bs, objs, 4), dtype=jnp.float32)
    ind = jnp.arange(bs * objs, dtype=jnp.int32).reshape(bs, objs)
    target = jax.random.uniform(k2, (bs, objs, 4), dtype=jnp.float32)
    wight_ = jax.random.uniform(k3, (bs, objs, 4), dtype=jnp.float32)
    return {"output": output, "gt_mask": gt_mask, "ind": ind, "target": target, "wight_": wight_}


def reference(output, gt_mask, ind, target, wight_):
    bs, objs, h, w = output.shape
    ind_x = ind % 200
    ind_y = ind // 200
    b = jnp.broadcast_to(jnp.arange(bs)[:, None, None], (bs, objs, 4))
    c = jnp.broadcast_to(jnp.arange(4)[None, None, :], (bs, objs, 4))
    xg = jnp.broadcast_to(ind_x[:, :, None], (bs, objs, 4))
    yg = jnp.broadcast_to(ind_y[:, :, None], (bs, objs, 4))
    gt = jnp.zeros_like(output).at[b, c, xg, yg].set(target)
    mask = jnp.zeros((bs, 4, h, w), dtype=jnp.float32).at[b, c, xg, yg].set(gt_mask)
    weight = jnp.zeros((bs, 4, h, w), dtype=jnp.float32).at[b, c, xg, yg].set(wight_)
    pred = output
    xs = jnp.arange(w)
    ys = jnp.arange(h)
    shift_y, shift_x = jnp.meshgrid(ys, xs, indexing="ij")
    shift = jnp.stack((shift_x, shift_y), axis=0).astype(jnp.float32)
    pred_boxes = jnp.concatenate(
        (shift - pred[:, jnp.array([0, 1])], shift + pred[:, jnp.array([2, 3])]), axis=1
    ).transpose(0, 2, 3, 1)
    gt_boxes = jnp.concatenate(
        (shift - gt[:, jnp.array([0, 1])], shift + gt[:, jnp.array([2, 3])]), axis=1
    ).transpose(0, 2, 3, 1)
    mask_p = jnp.transpose(mask, (0, 2, 3, 1))
    weight_p = jnp.transpose(weight, (0, 2, 3, 1))
    sel = mask_p == 1
    n_sel = bs * ind.shape[1] * 4
    sel_flat = sel.reshape(-1)
    sel_idx = jnp.argsort(jnp.logical_not(sel_flat), stable=True)[:n_sel]
    pred_b = pred_boxes.reshape(-1)[sel_idx].reshape(-1, 4)
    gt_b = gt_boxes.reshape(-1)[sel_idx].reshape(-1, 4)
    avg_factor = jnp.sum(weight_p) / 4
    w0 = weight_p.reshape(-1)[sel_idx[0]]
    lt = jnp.maximum(pred_b[:, :2], gt_b[:, :2])
    rb = jnp.minimum(pred_b[:, 2:], gt_b[:, 2:])
    wh = jnp.maximum(rb - lt + 1, 0.0)
    elt = jnp.minimum(pred_b[:, :2], gt_b[:, :2])
    erb = jnp.maximum(pred_b[:, 2:], gt_b[:, 2:])
    ewh = jnp.maximum(erb - elt + 1, 0.0)
    enclose_area = ewh[:, 0] * ewh[:, 1]
    overlap = wh[:, 0] * wh[:, 1]
    pred_area = (pred_b[:, 2] - pred_b[:, 0] + 1) * (pred_b[:, 3] - pred_b[:, 1] + 1)
    gt_area = (gt_b[:, 2] - gt_b[:, 0] + 1) * (gt_b[:, 3] - gt_b[:, 1] + 1)
    u = pred_area + gt_area - overlap
    ious = overlap / u
    gious = ious - (enclose_area - u) / enclose_area
    iou_distance = 1 - gious
    return jnp.sum(iou_distance * w0) / avg_factor

if __name__ == "__main__":
    import jax
    _d = setup_inputs()
    print(jax.jit(kernel)(*tuple(_d.values())))

</pallas_src>

<mosaic_0001>
#map = affine_map<(d0, d1) -> (0)>
#map1 = affine_map<(d0, d1) -> (0, 0, 0)>
module attributes {stable_mosaic.version = 14 : i64} {
  func.func @_giou_body(%arg0: i32, %arg1: i32, %arg2: memref<409600xf32, #tpu.memory_space<hbm>>, %arg3: memref<2048xf32, #tpu.memory_space<hbm>>, %arg4: memref<2048xf32, #tpu.memory_space<hbm>>, %arg5: memref<16xf32, #tpu.memory_space<hbm>>, %arg6: memref<16x2x16xf32, #tpu.memory_space<hbm>>, %arg7: memref<128xi32, #tpu.memory_space<vmem>>, %arg8: memref<128xi32, #tpu.memory_space<vmem>>, %arg9: memref<128xf32, #tpu.memory_space<vmem>>, %arg10: memref<128xf32, #tpu.memory_space<vmem>>, %arg11: memref<128xf32, #tpu.memory_space<vmem>>, %arg12: memref<2x16xf32, #tpu.memory_space<vmem>>, %arg13: memref<16x2x16xf32, #tpu.memory_space<vmem>>, %arg14: memref<16xf32, #tpu.memory_space<vmem>>, %arg15: memref<!tpu.dma_semaphore, #tpu.memory_space<semaphore_mem>>, %arg16: memref<!tpu.dma_semaphore, #tpu.memory_space<semaphore_mem>>) attributes {dimension_semantics = [#tpu.dimension_semantics<core_parallel>, #tpu.dimension_semantics<subcore_parallel>], iteration_bounds = array<i64: 2, 16>, scalar_prefetch = 0 : i64, scratch_operands = 10 : i64, tpu.core_type = #tpu.core_type<sc_vector_subcore>, window_params = [{transform_indices = #map}, {transform_indices = #map}, {transform_indices = #map}, {transform_indices = #map}, {transform_indices = #map1}]} {
    %iota3A = tpu.iota {dimensions = array<i32: 0>} : vector<16xi32>
    %eq3A = arith.constant 0 : i32
    %eq3A_0 = arith.cmpi eq, %arg0, %eq3A : i32
    %convert_element_type3A = arith.extui %eq3A_0 : i1 to i32
    %cond3A = arith.constant 0 : i32
    %cond3A_1 = arith.cmpi ne, %convert_element_type3A, %cond3A : i32
    scf.if %cond3A_1 {
      %add3A = arith.constant 0 : i32
      %add3A_2 = vector.broadcast %add3A : i32 to vector<16xi32>
      %add3A_3 = arith.addi %add3A_2, %iota3A : vector<16xi32>
      %mul3A = arith.constant 8 : i32
      %mul3A_4 = arith.muli %arg1, %mul3A : i32
      %div3A = arith.constant 4 : i32
      %div3A_5 = vector.broadcast %div3A : i32 to vector<16xi32>
      %div3A_6 = arith.divsi %add3A_3, %div3A_5 : vector<16xi32>
      %add3A_7 = vector.broadcast %mul3A_4 : i32 to vector<16xi32>
      %add3A_8 = arith.addi %add3A_7, %div3A_6 : vector<16xi32>
      %rem3A = arith.constant 4 : i32
      %rem3A_9 = vector.broadcast %rem3A : i32 to vector<16xi32>
      %rem3A_10 = arith.remsi %add3A_3, %rem3A_9 : vector<16xi32>
      %rem3A_11 = arith.constant 50 : i32
      %rem3A_12 = vector.broadcast %rem3A_11 : i32 to vector<16xi32>
      %rem3A_13 = arith.remsi %add3A_8, %rem3A_12 : vector<16xi32>
      %mul3A_14 = arith.constant 4 : i32
      %mul3A_15 = vector.broadcast %mul3A_14 : i32 to vector<16xi32>
      %mul3A_16 = arith.muli %rem3A_13, %mul3A_15 : vector<16xi32>
      %add3A_17 = arith.addi %mul3A_16, %rem3A_10 : vector<16xi32>
      %div3A_18 = arith.constant 50 : i32
      %div3A_19 = vector.broadcast %div3A_18 : i32 to vector<16xi32>
      %div3A_20 = arith.divsi %add3A_8, %div3A_19 : vector<16xi32>
      %mul3A_21 = arith.constant 4 : i32
      %mul3A_22 = vector.broadcast %mul3A_21 : i32 to vector<16xi32>
      %mul3A_23 = arith.muli %add3A_8, %mul3A_22 : vector<16xi32>
      %add3A_24 = arith.constant 0 : i32
      %add3A_25 = vector.broadcast %add3A_24 : i32 to vector<16xi32>
      %add3A_26 = arith.addi %mul3A_23, %add3A_25 : vector<16xi32>
      %mul3A_27 = arith.constant 200 : i32
      %mul3A_28 = vector.broadcast %mul3A_27 : i32 to vector<16xi32>
      %mul3A_29 = arith.muli %add3A_26, %mul3A_28 : vector<16xi32>
      %add3A_30 = arith.addi %mul3A_29, %add3A_17 : vector<16xi32>
      %mul3A_31 = arith.constant 4 : i32
      %mul3A_32 = vector.broadcast %mul3A_31 : i32 to vector<16xi32>
      %mul3A_33 = arith.muli %add3A_30, %mul3A_32 : vector<16xi32>
      %add3A_34 = arith.addi %mul3A_33, %div3A_20 : vector<16xi32>
      %swap3A = arith.constant 0 : index
      %swap3A_35 = tpu.vector_load %arg7[%swap3A] {strides = array<i32>} : memref<128xi32, #tpu.memory_space<vmem>>, vector<16xi32>,
      tpu.vector_store %arg7[%swap3A], %add3A_34 {strides = array<i32>} : memref<128xi32, #tpu.memory_space<vmem>>, vector<16xi32>,
      %mul3A_36 = arith.constant 16 : i32
      %mul3A_37 = vector.broadcast %mul3A_36 : i32 to vector<16xi32>
      %mul3A_38 = arith.muli %add3A_8, %mul3A_37 : vector<16xi32>
      %mul3A_39 = arith.constant 4 : i32
      %mul3A_40 = vector.broadcast %mul3A_39 : i32 to vector<16xi32>
      %mul3A_41 = arith.muli %rem3A_10, %mul3A_40 : vector<16xi32>
      %add3A_42 = arith.addi %mul3A_38, %mul3A_41 : vector<16xi32>
      %add3A_43 = arith.constant 0 : i32
      %add3A_44 = vector.broadcast %add3A_43 : i32 to vector<16xi32>
      %add3A_45 = arith.addi %add3A_42, %add3A_44 : vector<16xi32>
      %swap3A_46 = arith.constant 0 : index
      %swap3A_47 = tpu.vector_load %arg8[%swap3A_46] {strides = array<i32>} : memref<128xi32, #tpu.memory_space<vmem>>, vector<16xi32>,
      tpu.vector_store %arg8[%swap3A_46], %add3A_45 {strides = array<i32>} : memref<128xi32, #tpu.memory_space<vmem>>, vector<16xi32>,
      %mul3A_48 = arith.constant 4 : i32
      %mul3A_49 = vector.broadcast %mul3A_48 : i32 to vector<16xi32>
      %mul3A_50 = arith.muli %add3A_8, %mul3A_49 : vector<16xi32>
      %add3A_51 = arith.constant 1 : i32
      %add3A_52 = vector.broadcast %add3A_51 : i32 to vector<16xi32>
      %add3A_53 = arith.addi %mul3A_50, %add3A_52 : vector<16xi32>
      %mul3A_54 = arith.constant 200 : i32
      %mul3A_55 = vector.broadcast %mul3A_54 : i32 to vector<16xi32>
      %mul3A_56 = arith.muli %add3A_53, %mul3A_55 : vector<16xi32>
      %add3A_57 = arith.addi %mul3A_56, %add3A_17 : vector<16xi32>
      %mul3A_58 = arith.constant 4 : i32
      %mul3A_59 = vector.broadcast %mul3A_58 : i32 to vector<16xi32>
      %mul3A_60 = arith.muli %add3A_57, %mul3A_59 : vector<16xi32>
      %add3A_61 = arith.addi %mul3A_60, %div3A_20 : vector<16xi32>
      %swap3A_62 = arith.constant 16 : index
      %swap3A_63 = tpu.vector_load %arg7[%swap3A_62] {strides = array<i32>} : memref<128xi32, #tpu.memory_space<vmem>>, vector<16xi32>,
      tpu.vector_store %arg7[%swap3A_62], %add3A_61 {strides = array<i32>} : memref<128xi32, #tpu.memory_space<vmem>>, vector<16xi32>,
      %mul3A_64 = arith.constant 16 : i32
      %mul3A_65 = vector.broadcast %mul3A_64 : i32 to vector<16xi32>
      %mul3A_66 = arith.muli %add3A_8, %mul3A_65 : vector<16xi32>
      %mul3A_67 = arith.constant 4 : i32
      %mul3A_68 = vector.broadcast %mul3A_67 : i32 to vector<16xi32>
      %mul3A_69 = arith.muli %rem3A_10, %mul3A_68 : vector<16xi32>
      %add3A_70 = arith.addi %mul3A_66, %mul3A_69 : vector<16xi32>
      %add3A_71 = arith.constant 1 : i32
      %add3A_72 = vector.broadcast %add3A_71 : i32 to vector<16xi32>
      %add3A_73 = arith.addi %add3A_70, %add3A_72 : vector<16xi32>
      %swap3A_74 = arith.constant 16 : index
      %swap3A_75 = tpu.vector_load %arg8[%swap3A_74] {strides = array<i32>} : memref<128xi32, #tpu.memory_space<vmem>>, vector<16xi32>,
      tpu.vector_store %arg8[%swap3A_74], %add3A_73 {strides = array<i32>} : memref<128xi32, #tpu.memory_space<vmem>>, vector<16xi32>,
      %mul3A_76 = arith.constant 4 : i32
      %mul3A_77 = vector.broadcast %mul3A_76 : i32 to vector<16xi32>
      %mul3A_78 = arith.muli %add3A_8, %mul3A_77 : vector<16xi32>
      %add3A_79 = arith.constant 2 : i32
      %add3A_80 = vector.broadcast %add3A_79 : i32 to vector<16xi32>
      %add3A_81 = arith.addi %mul3A_78, %add3A_80 : vector<16xi32>
      %mul3A_82 = arith.constant 200 : i32
      %mul3A_83 = vector.broadcast %mul3A_82 : i32 to vector<16xi32>
      %mul3A_84 = arith.muli %add3A_81, %mul3A_83 : vector<16xi32>
      %add3A_85 = arith.addi %mul3A_84, %add3A_17 : vector<16xi32>
      %mul3A_86 = arith.constant 4 : i32
      %mul3A_87 = vector.broadcast %mul3A_86 : i32 to vector<16xi32>
      %mul3A_88 = arith.muli %add3A_85, %mul3A_87 : vector<16xi32>
      %add3A_89 = arith.addi %mul3A_88, %div3A_20 : vector<16xi32>
      %swap3A_90 = arith.constant 32 : index
      %swap3A_91 = tpu.vector_load %arg7[%swap3A_90] {strides = array<i32>} : memref<128xi32, #tpu.memory_space<vmem>>, vector<16xi32>,
      tpu.vector_store %arg7[%swap3A_90], %add3A_89 {strides = array<i32>} : memref<128xi32, #tpu.memory_space<vmem>>, vector<16xi32>,
      %mul3A_92 = arith.constant 16 : i32
      %mul3A_93 = vector.broadcast %mul3A_92 : i32 to vector<16xi32>
      %mul3A_94 = arith.muli %add3A_8, %mul3A_93 : vector<16xi32>
      %mul3A_95 = arith.constant 4 : i32
      %mul3A_96 = vector.broadcast %mul3A_95 : i32 to vector<16xi32>
      %mul3A_97 = arith.muli %rem3A_10, %mul3A_96 : vector<16xi32>
      %add3A_98 = arith.addi %mul3A_94, %mul3A_97 : vector<16xi32>
      %add3A_99 = arith.constant 2 : i32
      %add3A_100 = vector.broadcast %add3A_99 : i32 to vector<16xi32>
      %add3A_101 = arith.addi %add3A_98, %add3A_100 : vector<16xi32>
      %swap3A_102 = arith.constant 32 : index
      %swap3A_103 = tpu.vector_load %arg8[%swap3A_102] {strides = array<i32>} : memref<128xi32, #tpu.memory_space<vmem>>, vector<16xi32>,
      tpu.vector_store %arg8[%swap3A_102], %add3A_101 {strides = array<i32>} : memref<128xi32, #tpu.memory_space<vmem>>, vector<16xi32>,
      %mul3A_104 = arith.constant 4 : i32
      %mul3A_105 = vector.broadcast %mul3A_104 : i32 to vector<16xi32>
      %mul3A_106 = arith.muli %add3A_8, %mul3A_105 : vector<16xi32>
      %add3A_107 = arith.constant 3 : i32
      %add3A_108 = vector.broadcast %add3A_107 : i32 to vector<16xi32>
      %add3A_109 = arith.addi %mul3A_106, %add3A_108 : vector<16xi32>
      %mul3A_110 = arith.constant 200 : i32
      %mul3A_111 = vector.broadcast %mul3A_110 : i32 to vector<16xi32>
      %mul3A_112 = arith.muli %add3A_109, %mul3A_111 : vector<16xi32>
      %add3A_113 = arith.addi %mul3A_112, %add3A_17 : vector<16xi32>
      %mul3A_114 = arith.constant 4 : i32
      %mul3A_115 = vector.broadcast %mul3A_114 : i32 to vector<16xi32>
      %mul3A_116 = arith.muli %add3A_113, %mul3A_115 : vector<16xi32>
      %add3A_117 = arith.addi %mul3A_116, %div3A_20 : vector<16xi32>
      %swap3A_118 = arith.constant 48 : index
      %swap3A_119 = tpu.vector_load %arg7[%swap3A_118] {strides = array<i32>} : memref<128xi32, #tpu.memory_space<vmem>>, vector<16xi32>,
      tpu.vector_store %arg7[%swap3A_118], %add3A_117 {strides = array<i32>} : memref<128xi32, #tpu.memory_space<vmem>>, vector<16xi32>,
      %mul3A_120 = arith.constant 16 : i32
      %mul3A_121 = vector.broadcast %mul3A_120 : i32 to vector<16xi32>
      %mul3A_122 = arith.muli %add3A_8, %mul3A_121 : vector<16xi32>
      %mul3A_123 = arith.constant 4 : i32
      %mul3A_124 = vector.broadcast %mul3A_123 : i32 to vector<16xi32>
      %mul3A_125 = arith.muli %rem3A_10, %mul3A_124 : vector<16xi32>
      %add3A_126 = arith.addi %mul3A_122, %mul3A_125 : vector<16xi32>
      %add3A_127 = arith.constant 3 : i32
      %add3A_128 = vector.broadcast %add3A_127 : i32 to vector<16xi32>
      %add3A_129 = arith.addi %add3A_126, %add3A_128 : vector<16xi32>
      %swap3A_130 = arith.constant 48 : index
      %swap3A_131 = tpu.vector_load %arg8[%swap3A_130] {strides = array<i32>} : memref<128xi32, #tpu.memory_space<vmem>>, vector<16xi32>,
      tpu.vector_store %arg8[%swap3A_130], %add3A_129 {strides = array<i32>} : memref<128xi32, #tpu.memory_space<vmem>>, vector<16xi32>,
      %add3A_132 = arith.constant 16 : i32
      %add3A_133 = vector.broadcast %add3A_132 : i32 to vector<16xi32>
      %add3A_134 = arith.addi %add3A_133, %iota3A : vector<16xi32>
      %mul3A_135 = arith.constant 8 : i32
      %mul3A_136 = arith.muli %arg1, %mul3A_135 : i32
      %div3A_137 = arith.constant 4 : i32
      %div3A_138 = vector.broadcast %div3A_137 : i32 to vector<16xi32>
      %div3A_139 = arith.divsi %add3A_134, %div3A_138 : vector<16xi32>
      %add3A_140 = vector.broadcast %mul3A_136 : i32 to vector<16xi32>
      %add3A_141 = arith.addi %add3A_140, %div3A_139 : vector<16xi32>
      %rem3A_142 = arith.constant 4 : i32
      %rem3A_143 = vector.broadcast %rem3A_142 : i32 to vector<16xi32>
      %rem3A_144 = arith.remsi %add3A_134, %rem3A_143 : vector<16xi32>
      %rem3A_145 = arith.constant 50 : i32
      %rem3A_146 = vector.broadcast %rem3A_145 : i32 to vector<16xi32>
      %rem3A_147 = arith.remsi %add3A_141, %rem3A_146 : vector<16xi32>
      %mul3A_148 = arith.constant 4 : i32
      %mul3A_149 = vector.broadcast %mul3A_148 : i32 to vector<16xi32>
      %mul3A_150 = arith.muli %rem3A_147, %mul3A_149 : vector<16xi32>
      %add3A_151 = arith.addi %mul3A_150, %rem3A_144 : vector<16xi32>
      %div3A_152 = arith.constant 50 : i32
      %div3A_153 = vector.broadcast %div3A_152 : i32 to vector<16xi32>
      %div3A_154 = arith.divsi %add3A_141, %div3A_153 : vector<16xi32>
      %mul3A_155 = arith.constant 4 : i32
      %mul3A_156 = vector.broadcast %mul3A_155 : i32 to vector<16xi32>
      %mul3A_157 = arith.muli %add3A_141, %mul3A_156 : vector<16xi32>
      %add3A_158 = arith.constant 0 : i32
      %add3A_159 = vector.broadcast %add3A_158 : i32 to vector<16xi32>
      %add3A_160 = arith.addi %mul3A_157, %add3A_159 : vector<16xi32>
      %mul3A_161 = arith.constant 200 : i32
      %mul3A_162 = vector.broadcast %mul3A_161 : i32 to vector<16xi32>
      %mul3A_163 = arith.muli %add3A_160, %mul3A_162 : vector<16xi32>
      %add3A_164 = arith.addi %mul3A_163, %add3A_151 : vector<16xi32>
      %mul3A_165 = arith.constant 4 : i32
      %mul3A_166 = vector.broadcast %mul3A_165 : i32 to vector<16xi32>
      %mul3A_167 = arith.muli %add3A_164, %mul3A_166 : vector<16xi32>
      %add3A_168 = arith.addi %mul3A_167, %div3A_154 : vector<16xi32>
      %swap3A_169 = arith.constant 64 : index
      %swap3A_170 = tpu.vector_load %arg7[%swap3A_169] {strides = array<i32>} : memref<128xi32, #tpu.memory_space<vmem>>, vector<16xi32>,
      tpu.vector_store %arg7[%swap3A_169], %add3A_168 {strides = array<i32>} : memref<128xi32, #tpu.memory_space<vmem>>, vector<16xi32>,
      %mul3A_171 = arith.constant 16 : i32
      %mul3A_172 = vector.broadcast %mul3A_171 : i32 to vector<16xi32>
      %mul3A_173 = arith.muli %add3A_141, %mul3A_172 : vector<16xi32>
      %mul3A_174 = arith.constant 4 : i32
      %mul3A_175 = vector.broadcast %mul3A_174 : i32 to vector<16xi32>
      %mul3A_176 = arith.muli %rem3A_144, %mul3A_175 : vector<16xi32>
      %add3A_177 = arith.addi %mul3A_173, %mul3A_176 : vector<16xi32>
      %add3A_178 = arith.constant 0 : i32
      %add3A_179 = vector.broadcast %add3A_178 : i32 to vector<16xi32>
      %add3A_180 = arith.addi %add3A_177, %add3A_179 : vector<16xi32>
      %swap3A_181 = arith.constant 64 : index
      %swap3A_182 = tpu.vector_load %arg8[%swap3A_181] {strides = array<i32>} : memref<128xi32, #tpu.memory_space<vmem>>, vector<16xi32>,
      tpu.vector_store %arg8[%swap3A_181], %add3A_180 {strides = array<i32>} : memref<128xi32, #tpu.memory_space<vmem>>, vector<16xi32>,
      %mul3A_183 = arith.constant 4 : i32
      %mul3A_184 = vector.broadcast %mul3A_183 : i32 to vector<16xi32>
      %mul3A_185 = arith.muli %add3A_141, %mul3A_184 : vector<16xi32>
      %add3A_186 = arith.constant 1 : i32
      %add3A_187 = vector.broadcast %add3A_186 : i32 to vector<16xi32>
      %add3A_188 = arith.addi %mul3A_185, %add3A_187 : vector<16xi32>
      %mul3A_189 = arith.constant 200 : i32
      %mul3A_190 = vector.broadcast %mul3A_189 : i32 to vector<16xi32>
      %mul3A_191 = arith.muli %add3A_188, %mul3A_190 : vector<16xi32>
      %add3A_192 = arith.addi %mul3A_191, %add3A_151 : vector<16xi32>
      %mul3A_193 = arith.constant 4 : i32
      %mul3A_194 = vector.broadcast %mul3A_193 : i32 to vector<16xi32>
      %mul3A_195 = arith.muli %add3A_192, %mul3A_194 : vector<16xi32>
      %add3A_196 = arith.addi %mul3A_195, %div3A_154 : vector<16xi32>
      %swap3A_197 = arith.constant 80 : index
      %swap3A_198 = tpu.vector_load %arg7[%swap3A_197] {strides = array<i32>} : memref<128xi32, #tpu.memory_space<vmem>>, vector<16xi32>,
      tpu.vector_store %arg7[%swap3A_197], %add3A_196 {strides = array<i32>} : memref<128xi32, #tpu.memory_space<vmem>>, vector<16xi32>,
      %mul3A_199 = arith.constant 16 : i32
      %mul3A_200 = vector.broadcast %mul3A_199 : i32 to vector<16xi32>
      %mul3A_201 = arith.muli %add3A_141, %mul3A_200 : vector<16xi32>
      %mul3A_202 = arith.constant 4 : i32
      %mul3A_203 = vector.broadcast %mul3A_202 : i32 to vector<16xi32>
      %mul3A_204 = arith.muli %rem3A_144, %mul3A_203 : vector<16xi32>
      %add3A_205 = arith.addi %mul3A_201, %mul3A_204 : vector<16xi32>
      %add3A_206 = arith.constant 1 : i32
      %add3A_207 = vector.broadcast %add3A_206 : i32 to vector<16xi32>
      %add3A_208 = arith.addi %add3A_205, %add3A_207 : vector<16xi32>
      %swap3A_209 = arith.constant 80 : index
      %swap3A_210 = tpu.vector_load %arg8[%swap3A_209] {strides = array<i32>} : memref<128xi32, #tpu.memory_space<vmem>>, vector<16xi32>,
      tpu.vector_store %arg8[%swap3A_209], %add3A_208 {strides = array<i32>} : memref<128xi32, #tpu.memory_space<vmem>>, vector<16xi32>,
      %mul3A_211 = arith.constant 4 : i32
      %mul3A_212 = vector.broadcast %mul3A_211 : i32 to vector<16xi32>
      %mul3A_213 = arith.muli %add3A_141, %mul3A_212 : vector<16xi32>
      %add3A_214 = arith.constant 2 : i32
      %add3A_215 = vector.broadcast %add3A_214 : i32 to vector<16xi32>
      %add3A_216 = arith.addi %mul3A_213, %add3A_215 : vector<16xi32>
      %mul3A_217 = arith.constant 200 : i32
      %mul3A_218 = vector.broadcast %mul3A_217 : i32 to vector<16xi32>
      %mul3A_219 = arith.muli %add3A_216, %mul3A_218 : vector<16xi32>
      %add3A_220 = arith.addi %mul3A_219, %add3A_151 : vector<16xi32>
      %mul3A_221 = arith.constant 4 : i32
      %mul3A_222 = vector.broadcast %mul3A_221 : i32 to vector<16xi32>
      %mul3A_223 = arith.muli %add3A_220, %mul3A_222 : vector<16xi32>
      %add3A_224 = arith.addi %mul3A_223, %div3A_154 : vector<16xi32>
      %swap3A_225 = arith.constant 96 : index
      %swap3A_226 = tpu.vector_load %arg7[%swap3A_225] {strides = array<i32>} : memref<128xi32, #tpu.memory_space<vmem>>, vector<16xi32>,
      tpu.vector_store %arg7[%swap3A_225], %add3A_224 {strides = array<i32>} : memref<128xi32, #tpu.memory_space<vmem>>, vector<16xi32>,
      %mul3A_227 = arith.constant 16 : i32
      %mul3A_228 = vector.broadcast %mul3A_227 : i32 to vector<16xi32>
      %mul3A_229 = arith.muli %add3A_141, %mul3A_228 : vector<16xi32>
      %mul3A_230 = arith.constant 4 : i32
      %mul3A_231 = vector.broadcast %mul3A_230 : i32 to vector<16xi32>
      %mul3A_232 = arith.muli %rem3A_144, %mul3A_231 : vector<16xi32>
      %add3A_233 = arith.addi %mul3A_229, %mul3A_232 : vector<16xi32>
      %add3A_234 = arith.constant 2 : i32
      %add3A_235 = vector.broadcast %add3A_234 : i32 to vector<16xi32>
      %add3A_236 = arith.addi %add3A_233, %add3A_235 : vector<16xi32>
      %swap3A_237 = arith.constant 96 : index
      %swap3A_238 = tpu.vector_load %arg8[%swap3A_237] {strides = array<i32>} : memref<128xi32, #tpu.memory_space<vmem>>, vector<16xi32>,
      tpu.vector_store %arg8[%swap3A_237], %add3A_236 {strides = array<i32>} : memref<128xi32, #tpu.memory_space<vmem>>, vector<16xi32>,
      %mul3A_239 = arith.constant 4 : i32
      %mul3A_240 = vector.broadcast %mul3A_239 : i32 to vector<16xi32>
      %mul3A_241 = arith.muli %add3A_141, %mul3A_240 : vector<16xi32>
      %add3A_242 = arith.constant 3 : i32
      %add3A_243 = vector.broadcast %add3A_242 : i32 to vector<16xi32>
      %add3A_244 = arith.addi %mul3A_241, %add3A_243 : vector<16xi32>
      %mul3A_245 = arith.constant 200 : i32
      %mul3A_246 = vector.broadcast %mul3A_245 : i32 to vector<16xi32>
      %mul3A_247 = arith.muli %add3A_244, %mul3A_246 : vector<16xi32>
      %add3A_248 = arith.addi %mul3A_247, %add3A_151 : vector<16xi32>
      %mul3A_249 = arith.constant 4 : i32
      %mul3A_250 = vector.broadcast %mul3A_249 : i32 to vector<16xi32>
      %mul3A_251 = arith.muli %add3A_248, %mul3A_250 : vector<16xi32>
      %add3A_252 = arith.addi %mul3A_251, %div3A_154 : vector<16xi32>
      %swap3A_253 = arith.constant 112 : index
      %swap3A_254 = tpu.vector_load %arg7[%swap3A_253] {strides = array<i32>} : memref<128xi32, #tpu.memory_space<vmem>>, vector<16xi32>,
      tpu.vector_store %arg7[%swap3A_253], %add3A_252 {strides = array<i32>} : memref<128xi32, #tpu.memory_space<vmem>>, vector<16xi32>,
      %mul3A_255 = arith.constant 16 : i32
      %mul3A_256 = vector.broadcast %mul3A_255 : i32 to vector<16xi32>
      %mul3A_257 = arith.muli %add3A_141, %mul3A_256 : vector<16xi32>
      %mul3A_258 = arith.constant 4 : i32
      %mul3A_259 = vector.broadcast %mul3A_258 : i32 to vector<16xi32>
      %mul3A_260 = arith.muli %rem3A_144, %mul3A_259 : vector<16xi32>
      %add3A_261 = arith.addi %mul3A_257, %mul3A_260 : vector<16xi32>
      %add3A_262 = arith.constant 3 : i32
      %add3A_263 = vector.broadcast %add3A_262 : i32 to vector<16xi32>
      %add3A_264 = arith.addi %add3A_261, %add3A_263 : vector<16xi32>
      %swap3A_265 = arith.constant 112 : index
      %swap3A_266 = tpu.vector_load %arg8[%swap3A_265] {strides = array<i32>} : memref<128xi32, #tpu.memory_space<vmem>>, vector<16xi32>,
      tpu.vector_store %arg8[%swap3A_265], %add3A_264 {strides = array<i32>} : memref<128xi32, #tpu.memory_space<vmem>>, vector<16xi32>,
      %dma_start3A = arith.constant 0 : i32
      %dma_start3A_267 = tpu.memref_slice %arg2[%dma_start3A] : memref<409600xf32, #tpu.memory_space<hbm>> -> memref<409600xf32, #tpu.memory_space<hbm>>
      tpu.enqueue_indirect_dma source(%dma_start3A_267 : memref<409600xf32, #tpu.memory_space<hbm>>) target(%arg9 : memref<128xf32, #tpu.memory_space<vmem>>) offsets(%arg7 : memref<128xi32, #tpu.memory_space<vmem>>) semaphore(%arg15 : memref<!tpu.dma_semaphore, #tpu.memory_space<semaphore_mem>>)
      %dma_start3A_268 = arith.constant 0 : i32
      %dma_start3A_269 = tpu.memref_slice %arg3[%dma_start3A_268] : memref<2048xf32, #tpu.memory_space<hbm>> -> memref<2048xf32, #tpu.memory_space<hbm>>
      tpu.enqueue_indirect_dma source(%dma_start3A_269 : memref<2048xf32, #tpu.memory_space<hbm>>) target(%arg10 : memref<128xf32, #tpu.memory_space<vmem>>) offsets(%arg8 : memref<128xi32, #tpu.memory_space<vmem>>) semaphore(%arg16 : memref<!tpu.dma_semaphore, #tpu.memory_space<semaphore_mem>>)
      %mul3A_270 = arith.constant 128 : i32
      %mul3A_271 = arith.muli %arg1, %mul3A_270 : i32
      "tpu.region"() ({
        %run_scoped3A = tpu.sem_alloc : memref<!tpu.dma_semaphore, #tpu.memory_space<semaphore_mem>>
        %dma_start3A_527 = tpu.memref_slice %arg4[%mul3A_271] : memref<2048xf32, #tpu.memory_space<hbm>> -> memref<128xf32, #tpu.memory_space<hbm>>
        %dma_start3A_528 = tpu.memref_slice %arg4[%mul3A_271] : memref<2048xf32, #tpu.memory_space<hbm>> -> memref<128xf32, #tpu.memory_space<hbm>>
        tpu.enqueue_dma source(%dma_start3A_528 : memref<128xf32, #tpu.memory_space<hbm>>) target(%arg11 : memref<128xf32, #tpu.memory_space<vmem>>) target_semaphore(%run_scoped3A : memref<!tpu.dma_semaphore, #tpu.memory_space<semaphore_mem>>)
        %dma_wait3A_529 = tpu.memref_slice %arg4[%mul3A_271] : memref<2048xf32, #tpu.memory_space<hbm>> -> memref<128xf32, #tpu.memory_space<hbm>>
        %dma_wait3A_530 = tpu.memref_slice %arg4[%mul3A_271] : memref<2048xf32, #tpu.memory_space<hbm>> -> memref<128xf32, #tpu.memory_space<hbm>>
        tpu.wait_dma2 semaphore(%run_scoped3A : memref<!tpu.dma_semaphore, #tpu.memory_space<semaphore_mem>>) src(%dma_wait3A_530 : memref<128xf32, #tpu.memory_space<hbm>>) dst(%arg11 : memref<128xf32, #tpu.memory_space<vmem>>)
        tpu.yield
      }) : () -> ()
      %dma_wait3A = arith.constant 0 : i32
      %dma_wait3A_272 = tpu.memref_slice %arg2[%dma_wait3A] : memref<409600xf32, #tpu.memory_space<hbm>> -> memref<409600xf32, #tpu.memory_space<hbm>>
      tpu.wait_indirect_dma semaphore(%arg15 : memref<!tpu.dma_semaphore, #tpu.memory_space<semaphore_mem>>) src(%dma_wait3A_272 : memref<409600xf32, #tpu.memory_space<hbm>>) dst(%arg9 : memref<128xf32, #tpu.memory_space<vmem>>)
      %dma_wait3A_273 = arith.constant 0 : i32
      %dma_wait3A_274 = tpu.memref_slice %arg3[%dma_wait3A_273] : memref<2048xf32, #tpu.memory_space<hbm>> -> memref<2048xf32, #tpu.memory_space<hbm>>
      tpu.wait_indirect_dma semaphore(%arg16 : memref<!tpu.dma_semaphore, #tpu.memory_space<semaphore_mem>>) src(%dma_wait3A_274 : memref<2048xf32, #tpu.memory_space<hbm>>) dst(%arg10 : memref<128xf32, #tpu.memory_space<vmem>>)
      %broadcast_in_dim3A = arith.constant 0.000000e+00 : f32
      %broadcast_in_dim3A_275 = vector.broadcast %broadcast_in_dim3A : f32 to vector<16xf32>
      %get3A = arith.constant 0 : index
      %get3A_276 = tpu.vector_load %arg9[%get3A] {strides = array<i32>} : memref<128xf32, #tpu.memory_space<vmem>>, vector<16xf32>,
      %get3A_277 = arith.constant 16 : index
      %get3A_278 = tpu.vector_load %arg9[%get3A_277] {strides = array<i32>} : memref<128xf32, #tpu.memory_space<vmem>>, vector<16xf32>,
      %get3A_279 = arith.constant 32 : index
      %get3A_280 = tpu.vector_load %arg9[%get3A_279] {strides = array<i32>} : memref<128xf32, #tpu.memory_space<vmem>>, vector<16xf32>,
      %get3A_281 = arith.constant 48 : index
      %get3A_282 = tpu.vector_load %arg9[%get3A_281] {strides = array<i32>} : memref<128xf32, #tpu.memory_space<vmem>>, vector<16xf32>,
      %get3A_283 = arith.constant 0 : index
      %get3A_284 = tpu.vector_load %arg10[%get3A_283] {strides = array<i32>} : memref<128xf32, #tpu.memory_space<vmem>>, vector<16xf32>,
      %get3A_285 = arith.constant 16 : index
      %get3A_286 = tpu.vector_load %arg10[%get3A_285] {strides = array<i32>} : memref<128xf32, #tpu.memory_space<vmem>>, vector<16xf32>,
      %get3A_287 = arith.constant 32 : index
      %get3A_288 = tpu.vector_load %arg10[%get3A_287] {strides = array<i32>} : memref<128xf32, #tpu.memory_space<vmem>>, vector<16xf32>,
      %get3A_289 = arith.constant 48 : index
      %get3A_290 = tpu.vector_load %arg10[%get3A_289] {strides = array<i32>} : memref<128xf32, #tpu.memory_space<vmem>>, vector<16xf32>,
      %min3A = arith.minimumf %get3A_276, %get3A_284 : vector<16xf32>
      %min3A_291 = arith.minimumf %get3A_278, %get3A_286 : vector<16xf32>
      %min3A_292 = arith.minimumf %get3A_280, %get3A_288 : vector<16xf32>
      %min3A_293 = arith.minimumf %get3A_282, %get3A_290 : vector<16xf32>
      %max3A = arith.maximumf %get3A_276, %get3A_284 : vector<16xf32>
      %max3A_294 = arith.maximumf %get3A_278, %get3A_286 : vector<16xf32>
      %max3A_295 = arith.maximumf %get3A_280, %get3A_288 : vector<16xf32>
      %max3A_296 = arith.maximumf %get3A_282, %get3A_290 : vector<16xf32>
      %add3A_297 = arith.addf %min3A, %min3A_292 : vector<16xf32>
      %add3A_298 = arith.constant 1.000000e+00 : f32
      %add3A_299 = vector.broadcast %add3A_298 : f32 to vector<16xf32>
      %add3A_300 = arith.addf %add3A_297, %add3A_299 : vector<16xf32>
      %max3A_301 = arith.constant 0.000000e+00 : f32
      %max3A_302 = vector.broadcast %max3A_301 : f32 to vector<16xf32>
      %max3A_303 = arith.maximumf %add3A_300, %max3A_302 : vector<16xf32>
      %add3A_304 = arith.addf %min3A_291, %min3A_293 : vector<16xf32>
      %add3A_305 = arith.constant 1.000000e+00 : f32
      %add3A_306 = vector.broadcast %add3A_305 : f32 to vector<16xf32>
      %add3A_307 = arith.addf %add3A_304, %add3A_306 : vector<16xf32>
      %max3A_308 = arith.constant 0.000000e+00 : f32
      %max3A_309 = vector.broadcast %max3A_308 : f32 to vector<16xf32>
      %max3A_310 = arith.maximumf %add3A_307, %max3A_309 : vector<16xf32>
      %add3A_311 = arith.addf %max3A, %max3A_295 : vector<16xf32>
      %add3A_312 = arith.constant 1.000000e+00 : f32
      %add3A_313 = vector.broadcast %add3A_312 : f32 to vector<16xf32>
      %add3A_314 = arith.addf %add3A_311, %add3A_313 : vector<16xf32>
      %max3A_315 = arith.constant 0.000000e+00 : f32
      %max3A_316 = vector.broadcast %max3A_315 : f32 to vector<16xf32>
      %max3A_317 = arith.maximumf %add3A_314, %max3A_316 : vector<16xf32>
      %add3A_318 = arith.addf %max3A_294, %max3A_296 : vector<16xf32>
      %add3A_319 = arith.constant 1.000000e+00 : f32
      %add3A_320 = vector.broadcast %add3A_319 : f32 to vector<16xf32>
      %add3A_321 = arith.addf %add3A_318, %add3A_320 : vector<16xf32>
      %max3A_322 = arith.constant 0.000000e+00 : f32
      %max3A_323 = vector.broadcast %max3A_322 : f32 to vector<16xf32>
      %max3A_324 = arith.maximumf %add3A_321, %max3A_323 : vector<16xf32>
      %mul3A_325 = arith.mulf %max3A_303, %max3A_310 : vector<16xf32>
      %mul3A_326 = arith.mulf %max3A_317, %max3A_324 : vector<16xf32>
      %add3A_327 = arith.addf %get3A_276, %get3A_280 : vector<16xf32>
      %add3A_328 = arith.constant 1.000000e+00 : f32
      %add3A_329 = vector.broadcast %add3A_328 : f32 to vector<16xf32>
      %add3A_330 = arith.addf %add3A_327, %add3A_329 : vector<16xf32>
      %add3A_331 = arith.addf %get3A_278, %get3A_282 : vector<16xf32>
      %add3A_332 = arith.constant 1.000000e+00 : f32
      %add3A_333 = vector.broadcast %add3A_332 : f32 to vector<16xf32>
      %add3A_334 = arith.addf %add3A_331, %add3A_333 : vector<16xf32>
      %mul3A_335 = arith.mulf %add3A_330, %add3A_334 : vector<16xf32>
      %add3A_336 = arith.addf %get3A_284, %get3A_288 : vector<16xf32>
      %add3A_337 = arith.constant 1.000000e+00 : f32
      %add3A_338 = vector.broadcast %add3A_337 : f32 to vector<16xf32>
      %add3A_339 = arith.addf %add3A_336, %add3A_338 : vector<16xf32>
      %add3A_340 = arith.addf %get3A_286, %get3A_290 : vector<16xf32>
      %add3A_341 = arith.constant 1.000000e+00 : f32
      %add3A_342 = vector.broadcast %add3A_341 : f32 to vector<16xf32>
      %add3A_343 = arith.addf %add3A_340, %add3A_342 : vector<16xf32>
      %mul3A_344 = arith.mulf %add3A_339, %add3A_343 : vector<16xf32>
      %add3A_345 = arith.addf %mul3A_335, %mul3A_344 : vector<16xf32>
      %sub3A = arith.subf %add3A_345, %mul3A_325 : vector<16xf32>
      %div3A_346 = arith.constant 1.000000e+00 : f32
      %div3A_347 = vector.broadcast %div3A_346 : f32 to vector<16xf32>
      %div3A_348 = arith.divf %div3A_347, %sub3A : vector<16xf32>
      %mul3A_349 = arith.mulf %sub3A, %div3A_348 : vector<16xf32>
      %sub3A_350 = arith.constant 2.000000e+00 : f32
      %sub3A_351 = vector.broadcast %sub3A_350 : f32 to vector<16xf32>
      %sub3A_352 = arith.subf %sub3A_351, %mul3A_349 : vector<16xf32>
      %mul3A_353 = arith.mulf %div3A_348, %sub3A_352 : vector<16xf32>
      %mul3A_354 = arith.mulf %sub3A, %mul3A_353 : vector<16xf32>
      %sub3A_355 = arith.constant 2.000000e+00 : f32
      %sub3A_356 = vector.broadcast %sub3A_355 : f32 to vector<16xf32>
      %sub3A_357 = arith.subf %sub3A_356, %mul3A_354 : vector<16xf32>
      %mul3A_358 = arith.mulf %mul3A_353, %sub3A_357 : vector<16xf32>
      %mul3A_359 = arith.mulf %mul3A_325, %mul3A_358 : vector<16xf32>
      %sub3A_360 = arith.subf %mul3A_326, %sub3A : vector<16xf32>
      %div3A_361 = arith.constant 1.000000e+00 : f32
      %div3A_362 = vector.broadcast %div3A_361 : f32 to vector<16xf32>
      %div3A_363 = arith.divf %div3A_362, %mul3A_326 : vector<16xf32>
      %mul3A_364 = arith.mulf %mul3A_326, %div3A_363 : vector<16xf32>
      %sub3A_365 = arith.constant 2.000000e+00 : f32
      %sub3A_366 = vector.broadcast %sub3A_365 : f32 to vector<16xf32>
      %sub3A_367 = arith.subf %sub3A_366, %mul3A_364 : vector<16xf32>
      %mul3A_368 = arith.mulf %div3A_363, %sub3A_367 : vector<16xf32>
      %mul3A_369 = arith.mulf %mul3A_326, %mul3A_368 : vector<16xf32>
      %sub3A_370 = arith.constant 2.000000e+00 : f32
      %sub3A_371 = vector.broadcast %sub3A_370 : f32 to vector<16xf32>
      %sub3A_372 = arith.subf %sub3A_371, %mul3A_369 : vector<16xf32>
      %mul3A_373 = arith.mulf %mul3A_368, %sub3A_372 : vector<16xf32>
      %mul3A_374 = arith.mulf %sub3A_360, %mul3A_373 : vector<16xf32>
      %sub3A_375 = arith.subf %mul3A_359, %mul3A_374 : vector<16xf32>
      %sub3A_376 = arith.constant 1.000000e+00 : f32
      %sub3A_377 = vector.broadcast %sub3A_376 : f32 to vector<16xf32>
      %sub3A_378 = arith.subf %sub3A_377, %sub3A_375 : vector<16xf32>
      %add3A_379 = arith.addf %broadcast_in_dim3A_275, %sub3A_378 : vector<16xf32>
      %get3A_380 = arith.constant 64 : index
      %get3A_381 = tpu.vector_load %arg9[%get3A_380] {strides = array<i32>} : memref<128xf32, #tpu.memory_space<vmem>>, vector<16xf32>,
      %get3A_382 = arith.constant 80 : index
      %get3A_383 = tpu.vector_load %arg9[%get3A_382] {strides = array<i32>} : memref<128xf32, #tpu.memory_space<vmem>>, vector<16xf32>,
      %get3A_384 = arith.constant 96 : index
      %get3A_385 = tpu.vector_load %arg9[%get3A_384] {strides = array<i32>} : memref<128xf32, #tpu.memory_space<vmem>>, vector<16xf32>,
      %get3A_386 = arith.constant 112 : index
      %get3A_387 = tpu.vector_load %arg9[%get3A_386] {strides = array<i32>} : memref<128xf32, #tpu.memory_space<vmem>>, vector<16xf32>,
      %get3A_388 = arith.constant 64 : index
      %get3A_389 = tpu.vector_load %arg10[%get3A_388] {strides = array<i32>} : memref<128xf32, #tpu.memory_space<vmem>>, vector<16xf32>,
      %get3A_390 = arith.constant 80 : index
      %get3A_391 = tpu.vector_load %arg10[%get3A_390] {strides = array<i32>} : memref<128xf32, #tpu.memory_space<vmem>>, vector<16xf32>,
      %get3A_392 = arith.constant 96 : index
      %get3A_393 = tpu.vector_load %arg10[%get3A_392] {strides = array<i32>} : memref<128xf32, #tpu.memory_space<vmem>>, vector<16xf32>,
      %get3A_394 = arith.constant 112 : index
      %get3A_395 = tpu.vector_load %arg10[%get3A_394] {strides = array<i32>} : memref<128xf32, #tpu.memory_space<vmem>>, vector<16xf32>,
      %min3A_396 = arith.minimumf %get3A_381, %get3A_389 : vector<16xf32>
      %min3A_397 = arith.minimumf %get3A_383, %get3A_391 : vector<16xf32>
      %min3A_398 = arith.minimumf %get3A_385, %get3A_393 : vector<16xf32>
      %min3A_399 = arith.minimumf %get3A_387, %get3A_395 : vector<16xf32>
      %max3A_400 = arith.maximumf %get3A_381, %get3A_389 : vector<16xf32>
      %max3A_401 = arith.maximumf %get3A_383, %get3A_391 : vector<16xf32>
      %max3A_402 = arith.maximumf %get3A_385, %get3A_393 : vector<16xf32>
      %max3A_403 = arith.maximumf %get3A_387, %get3A_395 : vector<16xf32>
      %add3A_404 = arith.addf %min3A_396, %min3A_398 : vector<16xf32>
      %add3A_405 = arith.constant 1.000000e+00 : f32
      %add3A_406 = vector.broadcast %add3A_405 : f32 to vector<16xf32>
      %add3A_407 = arith.addf %add3A_404, %add3A_406 : vector<16xf32>
      %max3A_408 = arith.constant 0.000000e+00 : f32
      %max3A_409 = vector.broadcast %max3A_408 : f32 to vector<16xf32>
      %max3A_410 = arith.maximumf %add3A_407, %max3A_409 : vector<16xf32>
      %add3A_411 = arith.addf %min3A_397, %min3A_399 : vector<16xf32>
      %add3A_412 = arith.constant 1.000000e+00 : f32
      %add3A_413 = vector.broadcast %add3A_412 : f32 to vector<16xf32>
      %add3A_414 = arith.addf %add3A_411, %add3A_413 : vector<16xf32>
      %max3A_415 = arith.constant 0.000000e+00 : f32
      %max3A_416 = vector.broadcast %max3A_415 : f32 to vector<16xf32>
      %max3A_417 = arith.maximumf %add3A_414, %max3A_416 : vector<16xf32>
      %add3A_418 = arith.addf %max3A_400, %max3A_402 : vector<16xf32>
      %add3A_419 = arith.constant 1.000000e+00 : f32
      %add3A_420 = vector.broadcast %add3A_419 : f32 to vector<16xf32>
      %add3A_421 = arith.addf %add3A_418, %add3A_420 : vector<16xf32>
      %max3A_422 = arith.constant 0.000000e+00 : f32
      %max3A_423 = vector.broadcast %max3A_422 : f32 to vector<16xf32>
      %max3A_424 = arith.maximumf %add3A_421, %max3A_423 : vector<16xf32>
      %add3A_425 = arith.addf %max3A_401, %max3A_403 : vector<16xf32>
      %add3A_426 = arith.constant 1.000000e+00 : f32
      %add3A_427 = vector.broadcast %add3A_426 : f32 to vector<16xf32>
      %add3A_428 = arith.addf %add3A_425, %add3A_427 : vector<16xf32>
      %max3A_429 = arith.constant 0.000000e+00 : f32
      %max3A_430 = vector.broadcast %max3A_429 : f32 to vector<16xf32>
      %max3A_431 = arith.maximumf %add3A_428, %max3A_430 : vector<16xf32>
      %mul3A_432 = arith.mulf %max3A_410, %max3A_417 : vector<16xf32>
      %mul3A_433 = arith.mulf %max3A_424, %max3A_431 : vector<16xf32>
      %add3A_434 = arith.addf %get3A_381, %get3A_385 : vector<16xf32>
      %add3A_435 = arith.constant 1.000000e+00 : f32
      %add3A_436 = vector.broadcast %add3A_435 : f32 to vector<16xf32>
      %add3A_437 = arith.addf %add3A_434, %add3A_436 : vector<16xf32>
      %add3A_438 = arith.addf %get3A_383, %get3A_387 : vector<16xf32>
      %add3A_439 = arith.constant 1.000000e+00 : f32
      %add3A_440 = vector.broadcast %add3A_439 : f32 to vector<16xf32>
      %add3A_441 = arith.addf %add3A_438, %add3A_440 : vector<16xf32>
      %mul3A_442 = arith.mulf %add3A_437, %add3A_441 : vector<16xf32>
      %add3A_443 = arith.addf %get3A_389, %get3A_393 : vector<16xf32>
      %add3A_444 = arith.constant 1.000000e+00 : f32
      %add3A_445 = vector.broadcast %add3A_444 : f32 to vector<16xf32>
      %add3A_446 = arith.addf %add3A_443, %add3A_445 : vector<16xf32>
      %add3A_447 = arith.addf %get3A_391, %get3A_395 : vector<16xf32>
      %add3A_448 = arith.constant 1.000000e+00 : f32
      %add3A_449 = vector.broadcast %add3A_448 : f32 to vector<16xf32>
      %add3A_450 = arith.addf %add3A_447, %add3A_449 : vector<16xf32>
      %mul3A_451 = arith.mulf %add3A_446, %add3A_450 : vector<16xf32>
      %add3A_452 = arith.addf %mul3A_442, %mul3A_451 : vector<16xf32>
      %sub3A_453 = arith.subf %add3A_452, %mul3A_432 : vector<16xf32>
      %div3A_454 = arith.constant 1.000000e+00 : f32
      %div3A_455 = vector.broadcast %div3A_454 : f32 to vector<16xf32>
      %div3A_456 = arith.divf %div3A_455, %sub3A_453 : vector<16xf32>
      %mul3A_457 = arith.mulf %sub3A_453, %div3A_456 : vector<16xf32>
      %sub3A_458 = arith.constant 2.000000e+00 : f32
      %sub3A_459 = vector.broadcast %sub3A_458 : f32 to vector<16xf32>
      %sub3A_460 = arith.subf %sub3A_459, %mul3A_457 : vector<16xf32>
      %mul3A_461 = arith.mulf %div3A_456, %sub3A_460 : vector<16xf32>
      %mul3A_462 = arith.mulf %sub3A_453, %mul3A_461 : vector<16xf32>
      %sub3A_463 = arith.constant 2.000000e+00 : f32
      %sub3A_464 = vector.broadcast %sub3A_463 : f32 to vector<16xf32>
      %sub3A_465 = arith.subf %sub3A_464, %mul3A_462 : vector<16xf32>
      %mul3A_466 = arith.mulf %mul3A_461, %sub3A_465 : vector<16xf32>
      %mul3A_467 = arith.mulf %mul3A_432, %mul3A_466 : vector<16xf32>
      %sub3A_468 = arith.subf %mul3A_433, %sub3A_453 : vector<16xf32>
      %div3A_469 = arith.constant 1.000000e+00 : f32
      %div3A_470 = vector.broadcast %div3A_469 : f32 to vector<16xf32>
      %div3A_471 = arith.divf %div3A_470, %mul3A_433 : vector<16xf32>
      %mul3A_472 = arith.mulf %mul3A_433, %div3A_471 : vector<16xf32>
      %sub3A_473 = arith.constant 2.000000e+00 : f32
      %sub3A_474 = vector.broadcast %sub3A_473 : f32 to vector<16xf32>
      %sub3A_475 = arith.subf %sub3A_474, %mul3A_472 : vector<16xf32>
      %mul3A_476 = arith.mulf %div3A_471, %sub3A_475 : vector<16xf32>
      %mul3A_477 = arith.mulf %mul3A_433, %mul3A_476 : vector<16xf32>
      %sub3A_478 = arith.constant 2.000000e+00 : f32
      %sub3A_479 = vector.broadcast %sub3A_478 : f32 to vector<16xf32>
      %sub3A_480 = arith.subf %sub3A_479, %mul3A_477 : vector<16xf32>
      %mul3A_481 = arith.mulf %mul3A_476, %sub3A_480 : vector<16xf32>
      %mul3A_482 = arith.mulf %sub3A_468, %mul3A_481 : vector<16xf32>
      %sub3A_483 = arith.subf %mul3A_467, %mul3A_482 : vector<16xf32>
      %sub3A_484 = arith.constant 1.000000e+00 : f32
      %sub3A_485 = vector.broadcast %sub3A_484 : f32 to vector<16xf32>
      %sub3A_486 = arith.subf %sub3A_485, %sub3A_483 : vector<16xf32>
      %add3A_487 = arith.addf %add3A_379, %sub3A_486 : vector<16xf32>
      %broadcast_in_dim3A_488 = arith.constant 0.000000e+00 : f32
      %broadcast_in_dim3A_489 = vector.broadcast %broadcast_in_dim3A_488 : f32 to vector<16xf32>
      %get3A_490 = arith.constant 0 : index
      %get3A_491 = tpu.vector_load %arg11[%get3A_490] {strides = array<i32>} : memref<128xf32, #tpu.memory_space<vmem>>, vector<16xf32>,
      %add3A_492 = arith.addf %broadcast_in_dim3A_489, %get3A_491 : vector<16xf32>
      %get3A_493 = arith.constant 16 : index
      %get3A_494 = tpu.vector_load %arg11[%get3A_493] {strides = array<i32>} : memref<128xf32, #tpu.memory_space<vmem>>, vector<16xf32>,
      %add3A_495 = arith.addf %add3A_492, %get3A_494 : vector<16xf32>
      %get3A_496 = arith.constant 32 : index
      %get3A_497 = tpu.vector_load %arg11[%get3A_496] {strides = array<i32>} : memref<128xf32, #tpu.memory_space<vmem>>, vector<16xf32>,
      %add3A_498 = arith.addf %add3A_495, %get3A_497 : vector<16xf32>
      %get3A_499 = arith.constant 48 : index
      %get3A_500 = tpu.vector_load %arg11[%get3A_499] {strides = array<i32>} : memref<128xf32, #tpu.memory_space<vmem>>, vector<16xf32>,
      %add3A_501 = arith.addf %add3A_498, %get3A_500 : vector<16xf32>
      %get3A_502 = arith.constant 64 : index
      %get3A_503 = tpu.vector_load %arg11[%get3A_502] {strides = array<i32>} : memref<128xf32, #tpu.memory_space<vmem>>, vector<16xf32>,
      %add3A_504 = arith.addf %add3A_501, %get3A_503 : vector<16xf32>
      %get3A_505 = arith.constant 80 : index
      %get3A_506 = tpu.vector_load %arg11[%get3A_505] {strides = array<i32>} : memref<128xf32, #tpu.memory_space<vmem>>, vector<16xf32>,
      %add3A_507 = arith.addf %add3A_504, %get3A_506 : vector<16xf32>
      %get3A_508 = arith.constant 96 : index
      %get3A_509 = tpu.vector_load %arg11[%get3A_508] {strides = array<i32>} : memref<128xf32, #tpu.memory_space<vmem>>, vector<16xf32>,
      %add3A_510 = arith.addf %add3A_507, %get3A_509 : vector<16xf32>
      %get3A_511 = arith.constant 112 : index
      %get3A_512 = tpu.vector_load %arg11[%get3A_511] {strides = array<i32>} : memref<128xf32, #tpu.memory_space<vmem>>, vector<16xf32>,
      %add3A_513 = arith.addf %add3A_510, %get3A_512 : vector<16xf32>
      %swap3A_514 = arith.constant 0 : i32
      %swap3A_515 = arith.index_cast %swap3A_514 : i32 to index
      %swap3A_516 = arith.constant 0 : index
      %swap3A_517 = tpu.vector_load %arg12[%swap3A_515, %swap3A_516] {strides = array<i32>} : memref<2x16xf32, #tpu.memory_space<vmem>>, vector<16xf32>,
      tpu.vector_store %arg12[%swap3A_515, %swap3A_516], %add3A_487 {strides = array<i32>} : memref<2x16xf32, #tpu.memory_space<vmem>>, vector<16xf32>,
      %swap3A_518 = arith.constant 1 : i32
      %swap3A_519 = arith.index_cast %swap3A_518 : i32 to index
      %swap3A_520 = arith.constant 0 : index
      %swap3A_521 = tpu.vector_load %arg12[%swap3A_519, %swap3A_520] {strides = array<i32>} : memref<2x16xf32, #tpu.memory_space<vmem>>, vector<16xf32>,
      tpu.vector_store %arg12[%swap3A_519, %swap3A_520], %add3A_513 {strides = array<i32>} : memref<2x16xf32, #tpu.memory_space<vmem>>, vector<16xf32>,
      "tpu.region"() ({
        %run_scoped3A = tpu.sem_alloc : memref<!tpu.dma_semaphore, #tpu.memory_space<semaphore_mem>>
        %dma_start3A_527 = arith.constant 0 : i32
        %dma_start3A_528 = arith.constant 0 : i32
        %dma_start3A_529 = tpu.memref_slice %arg6[%arg1, %dma_start3A_527, %dma_start3A_528] : memref<16x2x16xf32, #tpu.memory_space<hbm>> -> memref<1x2x16xf32, #tpu.memory_space<hbm>>
        %dma_start3A_530 = tpu.memref_squeeze %dma_start3A_529 : memref<1x2x16xf32, #tpu.memory_space<hbm>> -> memref<2x16xf32, #tpu.memory_space<hbm>>
        %dma_start3A_531 = arith.constant 0 : i32
        %dma_start3A_532 = arith.constant 0 : i32
        %dma_start3A_533 = tpu.memref_slice %arg6[%arg1, %dma_start3A_531, %dma_start3A_532] : memref<16x2x16xf32, #tpu.memory_space<hbm>> -> memref<1x2x16xf32, #tpu.memory_space<hbm>>
        %dma_start3A_534 = tpu.memref_squeeze %dma_start3A_533 : memref<1x2x16xf32, #tpu.memory_space<hbm>> -> memref<2x16xf32, #tpu.memory_space<hbm>>
        tpu.enqueue_dma source(%arg12 : memref<2x16xf32, #tpu.memory_space<vmem>>) target(%dma_start3A_534 : memref<2x16xf32, #tpu.memory_space<hbm>>) target_semaphore(%run_scoped3A : memref<!tpu.dma_semaphore, #tpu.memory_space<semaphore_mem>>)
        %dma_wait3A_535 = arith.constant 0 : i32
        %dma_wait3A_536 = arith.constant 0 : i32
        %dma_wait3A_537 = tpu.memref_slice %arg6[%arg1, %dma_wait3A_535, %dma_wait3A_536] : memref<16x2x16xf32, #tpu.memory_space<hbm>> -> memref<1x2x16xf32, #tpu.memory_space<hbm>>
        %dma_wait3A_538 = tpu.memref_squeeze %dma_wait3A_537 : memref<1x2x16xf32, #tpu.memory_space<hbm>> -> memref<2x16xf32, #tpu.memory_space<hbm>>
        %dma_wait3A_539 = arith.constant 0 : i32
        %dma_wait3A_540 = arith.constant 0 : i32
        %dma_wait3A_541 = tpu.memref_slice %arg6[%arg1, %dma_wait3A_539, %dma_wait3A_540] : memref<16x2x16xf32, #tpu.memory_space<hbm>> -> memref<1x2x16xf32, #tpu.memory_space<hbm>>
        %dma_wait3A_542 = tpu.memref_squeeze %dma_wait3A_541 : memref<1x2x16xf32, #tpu.memory_space<hbm>> -> memref<2x16xf32, #tpu.memory_space<hbm>>
        tpu.wait_dma2 semaphore(%run_scoped3A : memref<!tpu.dma_semaphore, #tpu.memory_space<semaphore_mem>>) src(%arg12 : memref<2x16xf32, #tpu.memory_space<vmem>>) dst(%dma_wait3A_542 : memref<2x16xf32, #tpu.memory_space<hbm>>)
        tpu.yield
      }) : () -> ()
      %barrier3A = arith.constant 0 : index
      tpu.barrier barrier_id(%barrier3A)
      %eq3A_522 = arith.constant 0 : i32
      %eq3A_523 = arith.cmpi eq, %arg1, %eq3A_522 : i32
      %convert_element_type3A_524 = arith.extui %eq3A_523 : i1 to i32
      %cond3A_525 = arith.constant 0 : i32
      %cond3A_526 = arith.cmpi ne, %convert_element_type3A_524, %cond3A_525 : i32
      scf.if %cond3A_526 {
        "tpu.region"() ({
          %run_scoped3A = tpu.sem_alloc : memref<!tpu.dma_semaphore, #tpu.memory_space<semaphore_mem>>
          tpu.enqueue_dma source(%arg6 : memref<16x2x16xf32, #tpu.memory_space<hbm>>) target(%arg13 : memref<16x2x16xf32, #tpu.memory_space<vmem>>) target_semaphore(%run_scoped3A : memref<!tpu.dma_semaphore, #tpu.memory_space<semaphore_mem>>)
          tpu.wait_dma2 semaphore(%run_scoped3A : memref<!tpu.dma_semaphore, #tpu.memory_space<semaphore_mem>>) src(%arg6 : memref<16x2x16xf32, #tpu.memory_space<hbm>>) dst(%arg13 : memref<16x2x16xf32, #tpu.memory_space<vmem>>)
          tpu.yield
        }) : () -> ()
        %broadcast_in_dim3A_527 = arith.constant 0.000000e+00 : f32
        %broadcast_in_dim3A_528 = vector.broadcast %broadcast_in_dim3A_527 : f32 to vector<16xf32>
        %broadcast_in_dim3A_529 = arith.constant 0.000000e+00 : f32
        %broadcast_in_dim3A_530 = vector.broadcast %broadcast_in_dim3A_529 : f32 to vector<16xf32>
        %get3A_531 = arith.constant 0 : i32
        %get3A_532 = arith.constant 0 : i32
        %get3A_533 = arith.index_cast %get3A_531 : i32 to index
        %get3A_534 = arith.index_cast %get3A_532 : i32 to index
        %get3A_535 = arith.constant 0 : index
        %get3A_536 = tpu.vector_load %arg13[%get3A_533, %get3A_534, %get3A_535] {strides = array<i32>} : memref<16x2x16xf32, #tpu.memory_space<vmem>>, vector<16xf32>,
        %add3A_537 = arith.addf %broadcast_in_dim3A_528, %get3A_536 : vector<16xf32>
        %get3A_538 = arith.constant 0 : i32
        %get3A_539 = arith.constant 1 : i32
        %get3A_540 = arith.index_cast %get3A_538 : i32 to index
        %get3A_541 = arith.index_cast %get3A_539 : i32 to index
        %get3A_542 = arith.constant 0 : index
        %get3A_543 = tpu.vector_load %arg13[%get3A_540, %get3A_541, %get3A_542] {strides = array<i32>} : memref<16x2x16xf32, #tpu.memory_space<vmem>>, vector<16xf32>,
        %add3A_544 = arith.addf %broadcast_in_dim3A_530, %get3A_543 : vector<16xf32>
        %get3A_545 = arith.constant 1 : i32
        %get3A_546 = arith.constant 0 : i32
        %get3A_547 = arith.index_cast %get3A_545 : i32 to index
        %get3A_548 = arith.index_cast %get3A_546 : i32 to index
        %get3A_549 = arith.constant 0 : index
        %get3A_550 = tpu.vector_load %arg13[%get3A_547, %get3A_548, %get3A_549] {strides = array<i32>} : memref<16x2x16xf32, #tpu.memory_space<vmem>>, vector<16xf32>,
        %add3A_551 = arith.addf %add3A_537, %get3A_550 : vector<16xf32>
        %get3A_552 = arith.constant 1 : i32
        %get3A_553 = arith.constant 1 : i32
        %get3A_554 = arith.index_cast %get3A_552 : i32 to index
        %get3A_555 = arith.index_cast %get3A_553 : i32 to index
        %get3A_556 = arith.constant 0 : index
        %get3A_557 = tpu.vector_load %arg13[%get3A_554, %get3A_555, %get3A_556] {strides = array<i32>} : memref<16x2x16xf32, #tpu.memory_space<vmem>>, vector<16xf32>,
        %add3A_558 = arith.addf %add3A_544, %get3A_557 : vector<16xf32>
        %get3A_559 = arith.constant 2 : i32
        %get3A_560 = arith.constant 0 : i32
        %get3A_561 = arith.index_cast %get3A_559 : i32 to index
        %get3A_562 = arith.index_cast %get3A_560 : i32 to index
        %get3A_563 = arith.constant 0 : index
        %get3A_564 = tpu.vector_load %arg13[%get3A_561, %get3A_562, %get3A_563] {strides = array<i32>} : memref<16x2x16xf32, #tpu.memory_space<vmem>>, vector<16xf32>,
        %add3A_565 = arith.addf %add3A_551, %get3A_564 : vector<16xf32>
        %get3A_566 = arith.constant 2 : i32
        %get3A_567 = arith.constant 1 : i32
        %get3A_568 = arith.index_cast %get3A_566 : i32 to index
        %get3A_569 = arith.index_cast %get3A_567 : i32 to index
        %get3A_570 = arith.constant 0 : index
        %get3A_571 = tpu.vector_load %arg13[%get3A_568, %get3A_569, %get3A_570] {strides = array<i32>} : memref<16x2x16xf32, #tpu.memory_space<vmem>>, vector<16xf32>,
        %add3A_572 = arith.addf %add3A_558, %get3A_571 : vector<16xf32>
        %get3A_573 = arith.constant 3 : i32
        %get3A_574 = arith.constant 0 : i32
        %get3A_575 = arith.index_cast %get3A_573 : i32 to index
        %get3A_576 = arith.index_cast %get3A_574 : i32 to index
        %get3A_577 = arith.constant 0 : index
        %get3A_578 = tpu.vector_load %arg13[%get3A_575, %get3A_576, %get3A_577] {strides = array<i32>} : memref<16x2x16xf32, #tpu.memory_space<vmem>>, vector<16xf32>,
        %add3A_579 = arith.addf %add3A_565, %get3A_578 : vector<16xf32>
        %get3A_580 = arith.constant 3 : i32
        %get3A_581 = arith.constant 1 : i32
        %get3A_582 = arith.index_cast %get3A_580 : i32 to index
        %get3A_583 = arith.index_cast %get3A_581 : i32 to index
        %get3A_584 = arith.constant 0 : index
        %get3A_585 = tpu.vector_load %arg13[%get3A_582, %get3A_583, %get3A_584] {strides = array<i32>} : memref<16x2x16xf32, #tpu.memory_space<vmem>>, vector<16xf32>,
        %add3A_586 = arith.addf %add3A_572, %get3A_585 : vector<16xf32>
        %get3A_587 = arith.constant 4 : i32
        %get3A_588 = arith.constant 0 : i32
        %get3A_589 = arith.index_cast %get3A_587 : i32 to index
        %get3A_590 = arith.index_cast %get3A_588 : i32 to index
        %get3A_591 = arith.constant 0 : index
        %get3A_592 = tpu.vector_load %arg13[%get3A_589, %get3A_590, %get3A_591] {strides = array<i32>} : memref<16x2x16xf32, #tpu.memory_space<vmem>>, vector<16xf32>,
        %add3A_593 = arith.addf %add3A_579, %get3A_592 : vector<16xf32>
        %get3A_594 = arith.constant 4 : i32
        %get3A_595 = arith.constant 1 : i32
        %get3A_596 = arith.index_cast %get3A_594 : i32 to index
        %get3A_597 = arith.index_cast %get3A_595 : i32 to index
        %get3A_598 = arith.constant 0 : index
        %get3A_599 = tpu.vector_load %arg13[%get3A_596, %get3A_597, %get3A_598] {strides = array<i32>} : memref<16x2x16xf32, #tpu.memory_space<vmem>>, vector<16xf32>,
        %add3A_600 = arith.addf %add3A_586, %get3A_599 : vector<16xf32>
        %get3A_601 = arith.constant 5 : i32
        %get3A_602 = arith.constant 0 : i32
        %get3A_603 = arith.index_cast %get3A_601 : i32 to index
        %get3A_604 = arith.index_cast %get3A_602 : i32 to index
        %get3A_605 = arith.constant 0 : index
        %get3A_606 = tpu.vector_load %arg13[%get3A_603, %get3A_604, %get3A_605] {strides = array<i32>} : memref<16x2x16xf32, #tpu.memory_space<vmem>>, vector<16xf32>,
        %add3A_607 = arith.addf %add3A_593, %get3A_606 : vector<16xf32>
        %get3A_608 = arith.constant 5 : i32
        %get3A_609 = arith.constant 1 : i32
        %get3A_610 = arith.index_cast %get3A_608 : i32 to index
        %get3A_611 = arith.index_cast %get3A_609 : i32 to index
        %get3A_612 = arith.constant 0 : index
        %get3A_613 = tpu.vector_load %arg13[%get3A_610, %get3A_611, %get3A_612] {strides = array<i32>} : memref<16x2x16xf32, #tpu.memory_space<vmem>>, vector<16xf32>,
        %add3A_614 = arith.addf %add3A_600, %get3A_613 : vector<16xf32>
        %get3A_615 = arith.constant 6 : i32
        %get3A_616 = arith.constant 0 : i32
        %get3A_617 = arith.index_cast %get3A_615 : i32 to index
        %get3A_618 = arith.index_cast %get3A_616 : i32 to index
        %get3A_619 = arith.constant 0 : index
        %get3A_620 = tpu.vector_load %arg13[%get3A_617, %get3A_618, %get3A_619] {strides = array<i32>} : memref<16x2x16xf32, #tpu.memory_space<vmem>>, vector<16xf32>,
        %add3A_621 = arith.addf %add3A_607, %get3A_620 : vector<16xf32>
        %get3A_622 = arith.constant 6 : i32
        %get3A_623 = arith.constant 1 : i32
        %get3A_624 = arith.index_cast %get3A_622 : i32 to index
        %get3A_625 = arith.index_cast %get3A_623 : i32 to index
        %get3A_626 = arith.constant 0 : index
        %get3A_627 = tpu.vector_load %arg13[%get3A_624, %get3A_625, %get3A_626] {strides = array<i32>} : memref<16x2x16xf32, #tpu.memory_space<vmem>>, vector<16xf32>,
        %add3A_628 = arith.addf %add3A_614, %get3A_627 : vector<16xf32>
        %get3A_629 = arith.constant 7 : i32
        %get3A_630 = arith.constant 0 : i32
        %get3A_631 = arith.index_cast %get3A_629 : i32 to index
        %get3A_632 = arith.index_cast %get3A_630 : i32 to index
        %get3A_633 = arith.constant 0 : index
        %get3A_634 = tpu.vector_load %arg13[%get3A_631, %get3A_632, %get3A_633] {strides = array<i32>} : memref<16x2x16xf32, #tpu.memory_space<vmem>>, vector<16xf32>,
        %add3A_635 = arith.addf %add3A_621, %get3A_634 : vector<16xf32>
        %get3A_636 = arith.constant 7 : i32
        %get3A_637 = arith.constant 1 : i32
        %get3A_638 = arith.index_cast %get3A_636 : i32 to index
        %get3A_639 = arith.index_cast %get3A_637 : i32 to index
        %get3A_640 = arith.constant 0 : index
        %get3A_641 = tpu.vector_load %arg13[%get3A_638, %get3A_639, %get3A_640] {strides = array<i32>} : memref<16x2x16xf32, #tpu.memory_space<vmem>>, vector<16xf32>,
        %add3A_642 = arith.addf %add3A_628, %get3A_641 : vector<16xf32>
        %get3A_643 = arith.constant 8 : i32
        %get3A_644 = arith.constant 0 : i32
        %get3A_645 = arith.index_cast %get3A_643 : i32 to index
        %get3A_646 = arith.index_cast %get3A_644 : i32 to index
        %get3A_647 = arith.constant 0 : index
        %get3A_648 = tpu.vector_load %arg13[%get3A_645, %get3A_646, %get3A_647] {strides = array<i32>} : memref<16x2x16xf32, #tpu.memory_space<vmem>>, vector<16xf32>,
        %add3A_649 = arith.addf %add3A_635, %get3A_648 : vector<16xf32>
        %get3A_650 = arith.constant 8 : i32
        %get3A_651 = arith.constant 1 : i32
        %get3A_652 = arith.index_cast %get3A_650 : i32 to index
        %get3A_653 = arith.index_cast %get3A_651 : i32 to index
        %get3A_654 = arith.constant 0 : index
        %get3A_655 = tpu.vector_load %arg13[%get3A_652, %get3A_653, %get3A_654] {strides = array<i32>} : memref<16x2x16xf32, #tpu.memory_space<vmem>>, vector<16xf32>,
        %add3A_656 = arith.addf %add3A_642, %get3A_655 : vector<16xf32>
        %get3A_657 = arith.constant 9 : i32
        %get3A_658 = arith.constant 0 : i32
        %get3A_659 = arith.index_cast %get3A_657 : i32 to index
        %get3A_660 = arith.index_cast %get3A_658 : i32 to index
        %get3A_661 = arith.constant 0 : index
        %get3A_662 = tpu.vector_load %arg13[%get3A_659, %get3A_660, %get3A_661] {strides = array<i32>} : memref<16x2x16xf32, #tpu.memory_space<vmem>>, vector<16xf32>,
        %add3A_663 = arith.addf %add3A_649, %get3A_662 : vector<16xf32>
        %get3A_664 = arith.constant 9 : i32
        %get3A_665 = arith.constant 1 : i32
        %get3A_666 = arith.index_cast %get3A_664 : i32 to index
        %get3A_667 = arith.index_cast %get3A_665 : i32 to index
        %get3A_668 = arith.constant 0 : index
        %get3A_669 = tpu.vector_load %arg13[%get3A_666, %get3A_667, %get3A_668] {strides = array<i32>} : memref<16x2x16xf32, #tpu.memory_space<vmem>>, vector<16xf32>,
        %add3A_670 = arith.addf %add3A_656, %get3A_669 : vector<16xf32>
        %get3A_671 = arith.constant 10 : i32
        %get3A_672 = arith.constant 0 : i32
        %get3A_673 = arith.index_cast %get3A_671 : i32 to index
        %get3A_674 = arith.index_cast %get3A_672 : i32 to index
        %get3A_675 = arith.constant 0 : index
        %get3A_676 = tpu.vector_load %arg13[%get3A_673, %get3A_674, %get3A_675] {strides = array<i32>} : memref<16x2x16xf32, #tpu.memory_space<vmem>>, vector<16xf32>,
        %add3A_677 = arith.addf %add3A_663, %get3A_676 : vector<16xf32>
        %get3A_678 = arith.constant 10 : i32
        %get3A_679 = arith.constant 1 : i32
        %get3A_680 = arith.index_cast %get3A_678 : i32 to index
        %get3A_681 = arith.index_cast %get3A_679 : i32 to index
        %get3A_682 = arith.constant 0 : index
        %get3A_683 = tpu.vector_load %arg13[%get3A_680, %get3A_681, %get3A_682] {strides = array<i32>} : memref<16x2x16xf32, #tpu.memory_space<vmem>>, vector<16xf32>,
        %add3A_684 = arith.addf %add3A_670, %get3A_683 : vector<16xf32>
        %get3A_685 = arith.constant 11 : i32
        %get3A_686 = arith.constant 0 : i32
        %get3A_687 = arith.index_cast %get3A_685 : i32 to index
        %get3A_688 = arith.index_cast %get3A_686 : i32 to index
        %get3A_689 = arith.constant 0 : index
        %get3A_690 = tpu.vector_load %arg13[%get3A_687, %get3A_688, %get3A_689] {strides = array<i32>} : memref<16x2x16xf32, #tpu.memory_space<vmem>>, vector<16xf32>,
        %add3A_691 = arith.addf %add3A_677, %get3A_690 : vector<16xf32>
        %get3A_692 = arith.constant 11 : i32
        %get3A_693 = arith.constant 1 : i32
        %get3A_694 = arith.index_cast %get3A_692 : i32 to index
        %get3A_695 = arith.index_cast %get3A_693 : i32 to index
        %get3A_696 = arith.constant 0 : index
        %get3A_697 = tpu.vector_load %arg13[%get3A_694, %get3A_695, %get3A_696] {strides = array<i32>} : memref<16x2x16xf32, #tpu.memory_space<vmem>>, vector<16xf32>,
        %add3A_698 = arith.addf %add3A_684, %get3A_697 : vector<16xf32>
        %get3A_699 = arith.constant 12 : i32
        %get3A_700 = arith.constant 0 : i32
        %get3A_701 = arith.index_cast %get3A_699 : i32 to index
        %get3A_702 = arith.index_cast %get3A_700 : i32 to index
        %get3A_703 = arith.constant 0 : index
        %get3A_704 = tpu.vector_load %arg13[%get3A_701, %get3A_702, %get3A_703] {strides = array<i32>} : memref<16x2x16xf32, #tpu.memory_space<vmem>>, vector<16xf32>,
        %add3A_705 = arith.addf %add3A_691, %get3A_704 : vector<16xf32>
        %get3A_706 = arith.constant 12 : i32
        %get3A_707 = arith.constant 1 : i32
        %get3A_708 = arith.index_cast %get3A_706 : i32 to index
        %get3A_709 = arith.index_cast %get3A_707 : i32 to index
        %get3A_710 = arith.constant 0 : index
        %get3A_711 = tpu.vector_load %arg13[%get3A_708, %get3A_709, %get3A_710] {strides = array<i32>} : memref<16x2x16xf32, #tpu.memory_space<vmem>>, vector<16xf32>,
        %add3A_712 = arith.addf %add3A_698, %get3A_711 : vector<16xf32>
        %get3A_713 = arith.constant 13 : i32
        %get3A_714 = arith.constant 0 : i32
        %get3A_715 = arith.index_cast %get3A_713 : i32 to index
        %get3A_716 = arith.index_cast %get3A_714 : i32 to index
        %get3A_717 = arith.constant 0 : index
        %get3A_718 = tpu.vector_load %arg13[%get3A_715, %get3A_716, %get3A_717] {strides = array<i32>} : memref<16x2x16xf32, #tpu.memory_space<vmem>>, vector<16xf32>,
        %add3A_719 = arith.addf %add3A_705, %get3A_718 : vector<16xf32>
        %get3A_720 = arith.constant 13 : i32
        %get3A_721 = arith.constant 1 : i32
        %get3A_722 = arith.index_cast %get3A_720 : i32 to index
        %get3A_723 = arith.index_cast %get3A_721 : i32 to index
        %get3A_724 = arith.constant 0 : index
        %get3A_725 = tpu.vector_load %arg13[%get3A_722, %get3A_723, %get3A_724] {strides = array<i32>} : memref<16x2x16xf32, #tpu.memory_space<vmem>>, vector<16xf32>,
        %add3A_726 = arith.addf %add3A_712, %get3A_725 : vector<16xf32>
        %get3A_727 = arith.constant 14 : i32
        %get3A_728 = arith.constant 0 : i32
        %get3A_729 = arith.index_cast %get3A_727 : i32 to index
        %get3A_730 = arith.index_cast %get3A_728 : i32 to index
        %get3A_731 = arith.constant 0 : index
        %get3A_732 = tpu.vector_load %arg13[%get3A_729, %get3A_730, %get3A_731] {strides = array<i32>} : memref<16x2x16xf32, #tpu.memory_space<vmem>>, vector<16xf32>,
        %add3A_733 = arith.addf %add3A_719, %get3A_732 : vector<16xf32>
        %get3A_734 = arith.constant 14 : i32
        %get3A_735 = arith.constant 1 : i32
        %get3A_736 = arith.index_cast %get3A_734 : i32 to index
        %get3A_737 = arith.index_cast %get3A_735 : i32 to index
        %get3A_738 = arith.constant 0 : index
        %get3A_739 = tpu.vector_load %arg13[%get3A_736, %get3A_737, %get3A_738] {strides = array<i32>} : memref<16x2x16xf32, #tpu.memory_space<vmem>>, vector<16xf32>,
        %add3A_740 = arith.addf %add3A_726, %get3A_739 : vector<16xf32>
        %get3A_741 = arith.constant 15 : i32
        %get3A_742 = arith.constant 0 : i32
        %get3A_743 = arith.index_cast %get3A_741 : i32 to index
        %get3A_744 = arith.index_cast %get3A_742 : i32 to index
        %get3A_745 = arith.constant 0 : index
        %get3A_746 = tpu.vector_load %arg13[%get3A_743, %get3A_744, %get3A_745] {strides = array<i32>} : memref<16x2x16xf32, #tpu.memory_space<vmem>>, vector<16xf32>,
        %add3A_747 = arith.addf %add3A_733, %get3A_746 : vector<16xf32>
        %get3A_748 = arith.constant 15 : i32
        %get3A_749 = arith.constant 1 : i32
        %get3A_750 = arith.index_cast %get3A_748 : i32 to index
        %get3A_751 = arith.index_cast %get3A_749 : i32 to index
        %get3A_752 = arith.constant 0 : index
        %get3A_753 = tpu.vector_load %arg13[%get3A_750, %get3A_751, %get3A_752] {strides = array<i32>} : memref<16x2x16xf32, #tpu.memory_space<vmem>>, vector<16xf32>,
        %add3A_754 = arith.addf %add3A_740, %get3A_753 : vector<16xf32>
        %swap3A_755 = arith.constant 0 : index
        %swap3A_756 = tpu.vector_load %arg14[%swap3A_755] {strides = array<i32>} : memref<16xf32, #tpu.memory_space<vmem>>, vector<16xf32>,
        tpu.vector_store %arg14[%swap3A_755], %add3A_747 {strides = array<i32>} : memref<16xf32, #tpu.memory_space<vmem>>, vector<16xf32>,
        %xor3A = arith.constant 1 : i32
        %xor3A_757 = vector.broadcast %xor3A : i32 to vector<16xi32>
        %xor3A_758 = arith.xori %iota3A, %xor3A_757 : vector<16xi32>
        %gather3A = tpu.vector_load_idx %arg14[%xor3A_758] : memref<16xf32, #tpu.memory_space<vmem>>[vector<16xi32>], vector<16xf32>,
        %add3A_759 = arith.addf %add3A_747, %gather3A : vector<16xf32>
        %swap3A_760 = arith.constant 0 : index
        %swap3A_761 = tpu.vector_load %arg14[%swap3A_760] {strides = array<i32>} : memref<16xf32, #tpu.memory_space<vmem>>, vector<16xf32>,
        tpu.vector_store %arg14[%swap3A_760], %add3A_759 {strides = array<i32>} : memref<16xf32, #tpu.memory_space<vmem>>, vector<16xf32>,
        %xor3A_762 = arith.constant 2 : i32
        %xor3A_763 = vector.broadcast %xor3A_762 : i32 to vector<16xi32>
        %xor3A_764 = arith.xori %iota3A, %xor3A_763 : vector<16xi32>
        %gather3A_765 = tpu.vector_load_idx %arg14[%xor3A_764] : memref<16xf32, #tpu.memory_space<vmem>>[vector<16xi32>], vector<16xf32>,
        %add3A_766 = arith.addf %add3A_759, %gather3A_765 : vector<16xf32>
        %swap3A_767 = arith.constant 0 : index
        %swap3A_768 = tpu.vector_load %arg14[%swap3A_767] {strides = array<i32>} : memref<16xf32, #tpu.memory_space<vmem>>, vector<16xf32>,
        tpu.vector_store %arg14[%swap3A_767], %add3A_766 {strides = array<i32>} : memref<16xf32, #tpu.memory_space<vmem>>, vector<16xf32>,
        %xor3A_769 = arith.constant 4 : i32
        %xor3A_770 = vector.broadcast %xor3A_769 : i32 to vector<16xi32>
        %xor3A_771 = arith.xori %iota3A, %xor3A_770 : vector<16xi32>
        %gather3A_772 = tpu.vector_load_idx %arg14[%xor3A_771] : memref<16xf32, #tpu.memory_space<vmem>>[vector<16xi32>], vector<16xf32>,
        %add3A_773 = arith.addf %add3A_766, %gather3A_772 : vector<16xf32>
        %swap3A_774 = arith.constant 0 : index
        %swap3A_775 = tpu.vector_load %arg14[%swap3A_774] {strides = array<i32>} : memref<16xf32, #tpu.memory_space<vmem>>, vector<16xf32>,
        tpu.vector_store %arg14[%swap3A_774], %add3A_773 {strides = array<i32>} : memref<16xf32, #tpu.memory_space<vmem>>, vector<16xf32>,
        %xor3A_776 = arith.constant 8 : i32
        %xor3A_777 = vector.broadcast %xor3A_776 : i32 to vector<16xi32>
        %xor3A_778 = arith.xori %iota3A, %xor3A_777 : vector<16xi32>
        %gather3A_779 = tpu.vector_load_idx %arg14[%xor3A_778] : memref<16xf32, #tpu.memory_space<vmem>>[vector<16xi32>], vector<16xf32>,
        %add3A_780 = arith.addf %add3A_773, %gather3A_779 : vector<16xf32>
        %swap3A_781 = arith.constant 0 : index
        %swap3A_782 = tpu.vector_load %arg14[%swap3A_781] {strides = array<i32>} : memref<16xf32, #tpu.memory_space<vmem>>, vector<16xf32>,
        tpu.vector_store %arg14[%swap3A_781], %add3A_754 {strides = array<i32>} : memref<16xf32, #tpu.memory_space<vmem>>, vector<16xf32>,
        %xor3A_783 = arith.constant 1 : i32
        %xor3A_784 = vector.broadcast %xor3A_783 : i32 to vector<16xi32>
        %xor3A_785 = arith.xori %iota3A, %xor3A_784 : vector<16xi32>
        %gather3A_786 = tpu.vector_load_idx %arg14[%xor3A_785] : memref<16xf32, #tpu.memory_space<vmem>>[vector<16xi32>], vector<16xf32>,
        %add3A_787 = arith.addf %add3A_754, %gather3A_786 : vector<16xf32>
        %swap3A_788 = arith.constant 0 : index
        %swap3A_789 = tpu.vector_load %arg14[%swap3A_788] {strides = array<i32>} : memref<16xf32, #tpu.memory_space<vmem>>, vector<16xf32>,
        tpu.vector_store %arg14[%swap3A_788], %add3A_787 {strides = array<i32>} : memref<16xf32, #tpu.memory_space<vmem>>, vector<16xf32>,
        %xor3A_790 = arith.constant 2 : i32
        %xor3A_791 = vector.broadcast %xor3A_790 : i32 to vector<16xi32>
        %xor3A_792 = arith.xori %iota3A, %xor3A_791 : vector<16xi32>
        %gather3A_793 = tpu.vector_load_idx %arg14[%xor3A_792] : memref<16xf32, #tpu.memory_space<vmem>>[vector<16xi32>], vector<16xf32>,
        %add3A_794 = arith.addf %add3A_787, %gather3A_793 : vector<16xf32>
        %swap3A_795 = arith.constant 0 : index
        %swap3A_796 = tpu.vector_load %arg14[%swap3A_795] {strides = array<i32>} : memref<16xf32, #tpu.memory_space<vmem>>, vector<16xf32>,
        tpu.vector_store %arg14[%swap3A_795], %add3A_794 {strides = array<i32>} : memref<16xf32, #tpu.memory_space<vmem>>, vector<16xf32>,
        %xor3A_797 = arith.constant 4 : i32
        %xor3A_798 = vector.broadcast %xor3A_797 : i32 to vector<16xi32>
        %xor3A_799 = arith.xori %iota3A, %xor3A_798 : vector<16xi32>
        %gather3A_800 = tpu.vector_load_idx %arg14[%xor3A_799] : memref<16xf32, #tpu.memory_space<vmem>>[vector<16xi32>], vector<16xf32>,
        %add3A_801 = arith.addf %add3A_794, %gather3A_800 : vector<16xf32>
        %swap3A_802 = arith.constant 0 : index
        %swap3A_803 = tpu.vector_load %arg14[%swap3A_802] {strides = array<i32>} : memref<16xf32, #tpu.memory_space<vmem>>, vector<16xf32>,
        tpu.vector_store %arg14[%swap3A_802], %add3A_801 {strides = array<i32>} : memref<16xf32, #tpu.memory_space<vmem>>, vector<16xf32>,
        %xor3A_804 = arith.constant 8 : i32
        %xor3A_805 = vector.broadcast %xor3A_804 : i32 to vector<16xi32>
        %xor3A_806 = arith.xori %iota3A, %xor3A_805 : vector<16xi32>
        %gather3A_807 = tpu.vector_load_idx %arg14[%xor3A_806] : memref<16xf32, #tpu.memory_space<vmem>>[vector<16xi32>], vector<16xf32>,
        %add3A_808 = arith.addf %add3A_801, %gather3A_807 : vector<16xf32>
        %get3A_809 = arith.constant 0 : index
        %get3A_810 = tpu.vector_load %arg11[%get3A_809] {strides = array<i32>} : memref<128xf32, #tpu.memory_space<vmem>>, vector<16xf32>,
        %swap3A_811 = arith.constant 0 : index
        %swap3A_812 = tpu.vector_load %arg14[%swap3A_811] {strides = array<i32>} : memref<16xf32, #tpu.memory_space<vmem>>, vector<16xf32>,
        tpu.vector_store %arg14[%swap3A_811], %get3A_810 {strides = array<i32>} : memref<16xf32, #tpu.memory_space<vmem>>, vector<16xf32>,
        %and3A = arith.constant 0 : i32
        %and3A_813 = vector.broadcast %and3A : i32 to vector<16xi32>
        %and3A_814 = arith.andi %iota3A, %and3A_813 : vector<16xi32>
        %gather3A_815 = tpu.vector_load_idx %arg14[%and3A_814] : memref<16xf32, #tpu.memory_space<vmem>>[vector<16xi32>], vector<16xf32>,
        %mul3A_816 = arith.constant 4.000000e+00 : f32
        %mul3A_817 = vector.broadcast %mul3A_816 : f32 to vector<16xf32>
        %mul3A_818 = arith.mulf %mul3A_817, %add3A_780 : vector<16xf32>
        %mul3A_819 = arith.mulf %mul3A_818, %gather3A_815 : vector<16xf32>
        %div3A_820 = arith.constant 1.000000e+00 : f32
        %div3A_821 = vector.broadcast %div3A_820 : f32 to vector<16xf32>
        %div3A_822 = arith.divf %div3A_821, %add3A_808 : vector<16xf32>
        %mul3A_823 = arith.mulf %add3A_808, %div3A_822 : vector<16xf32>
        %sub3A_824 = arith.constant 2.000000e+00 : f32
        %sub3A_825 = vector.broadcast %sub3A_824 : f32 to vector<16xf32>
        %sub3A_826 = arith.subf %sub3A_825, %mul3A_823 : vector<16xf32>
        %mul3A_827 = arith.mulf %div3A_822, %sub3A_826 : vector<16xf32>
        %mul3A_828 = arith.mulf %add3A_808, %mul3A_827 : vector<16xf32>
        %sub3A_829 = arith.constant 2.000000e+00 : f32
        %sub3A_830 = vector.broadcast %sub3A_829 : f32 to vector<16xf32>
        %sub3A_831 = arith.subf %sub3A_830, %mul3A_828 : vector<16xf32>
        %mul3A_832 = arith.mulf %mul3A_827, %sub3A_831 : vector<16xf32>
        %mul3A_833 = arith.mulf %mul3A_819, %mul3A_832 : vector<16xf32>
        %swap3A_834 = arith.constant 0 : index
        %swap3A_835 = tpu.vector_load %arg14[%swap3A_834] {strides = array<i32>} : memref<16xf32, #tpu.memory_space<vmem>>, vector<16xf32>,
        tpu.vector_store %arg14[%swap3A_834], %mul3A_833 {strides = array<i32>} : memref<16xf32, #tpu.memory_space<vmem>>, vector<16xf32>,
        "tpu.region"() ({
          %run_scoped3A = tpu.sem_alloc : memref<!tpu.dma_semaphore, #tpu.memory_space<semaphore_mem>>
          tpu.enqueue_dma source(%arg14 : memref<16xf32, #tpu.memory_space<vmem>>) target(%arg5 : memref<16xf32, #tpu.memory_space<hbm>>) target_semaphore(%run_scoped3A : memref<!tpu.dma_semaphore, #tpu.memory_space<semaphore_mem>>)
          tpu.wait_dma2 semaphore(%run_scoped3A : memref<!tpu.dma_semaphore, #tpu.memory_space<semaphore_mem>>) src(%arg14 : memref<16xf32, #tpu.memory_space<vmem>>) dst(%arg5 : memref<16xf32, #tpu.memory_space<hbm>>)
          tpu.yield
        }) : () -> ()
      } else {
      }
    } else {
    }
    return
  }
}

</mosaic_0001>

<sc_bundles>
// kernel: kernel.3.cloned.1.call-start
scs
__scs_entry_jumppad:
0x0: {  	(pc) =	sbr.rel $0x88, $3  }
0x1: {  	(tag) =	ssettag $0x0;
	lr =	simm.s32 $0x1  }
0x2: {  	[smem:$0x3F9E] =	sst lr;
	_ =	strace $0xD0000000  }
0x3: {  	_ = 	snop  }
0x4: {  	_ = 	snop  }
0x5: {  	_ = 	snop  }
0x6: {  	_ = 	snop  }
0x7: {  	_ = 	snop  }
__scs_overlays_trampoline_lowered:
0x8: {  	[smem:$0x3FAD] =	sst s0  }
0x9: {  	[smem:$0x3FAE] =	sst s1  }
0xa: {  	[smem:$0x3FAF] =	sst s2  }
0xb: {  	[smem:$0x3FB0] =	sst s3  }
0xc: {  	[smem:$0x3FB1] =	sst s4  }
0xd: {  	[smem:$0x3FB2] =	sst s5  }
0xe: {  	[smem:$0x3FB3] =	sst s6  }
0xf: {  	[smem:$0x3FB4] =	sst s7  }
0x10: {  	[smem:$0x3FB5] =	sst s8  }
0x11: {  	[smem:$0x3FB6] =	sst s9;
	s0 =	simm.s32 @!p0 $0x0  }
0x12: {  	s1 =	sld [smem:$0x3F9C];
	s0 =	simm.s32 @p0 $0x1  }
0x13: {  	[smem:$0x3FB7] =	sst s0;
	s0 =	simm.s32 @!p1 $0x0  }
0x14: {  	s2 =	sld [smem:$0x3F9B];
	s0 =	simm.s32 @p1 $0x1  }
0x15: {  	[smem:$0x3FB8] =	sst s0;
	s0 =	simm.s32 @!p2 $0x0  }
0x16: {  	s3 =	sld [smem:$0x3FDB];
	s0 =	simm.s32 @p2 $0x1  }
0x17: {  	s4 =	simm.s32 $0x1BF5;
	[smem:$0x3FBA] =	sst s0  }
0x18: {  	s0 =	sld [smem:$0x3F9D];
	_ =	swait.ge [sflag:s4], $0x0  }
0x19: {  	s7 =	sld [smem:$0x3F9E]  }
0x1a: {  	s8 =	sadd.s32 $0xFFFFE003, lr  }
0x1b: {  	s9 =	sadd.s32 $0xFFFFFEF7, lr;
	s5 =	simm.s32 $0xFFFFFFFF;
	p2 =	slt.u32 s8, $0xFFFFF086  }
0x1c: {  	p1 =	slt.u32 s9, $0xF7A;
	s5 =	simm.s32 @!p2 $0x0  }
0x1d: {  	s5 =	simm.s32 @p1 $0x1;
	p0 =	seq.s32 s7, s2  }
0x1e: {  	s7 =	smul.u32 @!p0 $0xF7A, s2;
	p2 =	seq.s32 @!p0 s5, $0x0  }
0x1f: {  	s9 =	smul.u32 $0xF7A, s1;
	s8 =	simm.s32 @!p0 $0x1BF5;
	p2 =	por !p2, p0  }
0x20: {  	[sflag:s8] =	ssyncset.s32 @!p0 $0xFFFFF086;
	s6 =	sadd.s32 @!p0 s3, s7;
	s7 =	simm.s32 @!p0 $0x108  }
0x21: {  	s3 =	sadd.s32 s3, s9;
	s6 =	sadd.s32 @!p0 $0x88, s6;
	s7 =	simm.s32 @p2 $0x1082  }
0x22: {  	[simem:s7], [sflag:s8] =	dma.local @!p0 [hbm:s6], $0xF7A  }
0x23: {  	s9 =	sor.u32 $0xD0000000, s2;
	s6 =	simm.s32 $0x108;
	_ =	swait.ge @!p0 [sflag:s8], $0x0  }
0x24: {  	s3 =	sadd.s32 $0x88, s3;
	s6 =	simm.s32 @!p1 $0x1082;
	[sflag:s4] =	ssyncset.s32 $0xFFFFF086  }
0x25: {  	[simem:s6], [sflag:s4] =	dma.local [hbm:s3], $0xF7A  }
0x26: {  	[smem:$0x3F9E] =	sst s1;
	(tag) =	ssettag s2;
	_ =	strace s9  }
0x27: {  	s1 =	sld [smem:$0x3FAE]  }
0x28: {  	s2 =	sld [smem:$0x3FAF]  }
0x29: {  	s4 =	sld [smem:$0x3FB1]  }
0x2a: {  	p0 =	seq.s32 s5, $0x0;
	s5 =	sld [smem:$0x3FB2]  }
0x2b: {  	s6 =	sld [smem:$0x3FB3]  }
0x2c: {  	s7 =	sld [smem:$0x3FB4]  }
0x2d: {  	s3 =	simm.s32 $0x108;
	s8 =	sld [smem:$0x3FB5]  }
0x2e: {  	s3 =	simm.s32 @!p0 $0x1082;
	s9 =	sld [smem:$0x3FB6]  }
0x2f: {  	lr =	sadd.s32 s0, s3;
	s0 =	sld [smem:$0x3FAD]  }
0x30: {  	s3 =	sld [smem:$0x3FB0]  }
0x31: {  	[smem:$0x3FB9] =	sst s10  }
0x32: {  	s10 =	sld [smem:$0x3FB7];
	_ =	sdelay $0x3  }
0x33: {  	p0 =	seq.s32 s10, $0x1;
	s10 =	sld [smem:$0x3FB9];
	_ =	sdelay $0x3  }
0x34: {  	[smem:$0x3FB9] =	sst s10  }
0x35: {  	s10 =	sld [smem:$0x3FB8];
	_ =	sdelay $0x3  }
0x36: {  	p1 =	seq.s32 s10, $0x1;
	s10 =	sld [smem:$0x3FB9];
	_ =	sdelay $0x3  }
0x37: {  	[smem:$0x3FB9] =	sst s10  }
0x38: {  	s10 =	sld [smem:$0x3FBA]  }
0x39: {  	_ = 	snop;
	(pc) =	sbr.ind lr, $3  }
0x3a: {  	_ = 	snop  }
0x3b: {  	_ = 	snop  }
0x3c: {  	p2 =	seq.s32 s10, $0x1;
	s10 =	sld [smem:$0x3FB9]  }
0x3d: {  	_ =	shalt  }
0x3e: {  	_ =	shalt  }
0x3f: {  	_ =	shalt  }
0x40: {  	_ =	shalt  }
0x41: {  	_ =	shalt  }
0x42: {  	_ =	shalt  }
0x43: {  	_ =	shalt  }
0x44: {  	_ =	shalt  }
0x45: {  	_ =	shalt  }
0x46: {  	_ =	shalt  }
0x47: {  	_ =	shalt  }
0x48: {  	_ =	shalt  }
0x49: {  	_ =	shalt  }
0x4a: {  	_ =	shalt  }
0x4b: {  	_ =	shalt  }
0x4c: {  	_ =	shalt  }
0x4d: {  	_ =	shalt  }
0x4e: {  	_ =	shalt  }
0x4f: {  	_ =	shalt  }
0x50: {  	_ =	shalt  }
0x51: {  	_ =	shalt  }
0x52: {  	_ =	shalt  }
0x53: {  	_ =	shalt  }
0x54: {  	_ =	shalt  }
0x55: {  	_ =	shalt  }
0x56: {  	_ =	shalt  }
0x57: {  	_ =	shalt  }
0x58: {  	_ =	shalt  }
0x59: {  	_ =	shalt  }
0x5a: {  	_ =	shalt  }
0x5b: {  	_ =	shalt  }
0x5c: {  	_ =	shalt  }
0x5d: {  	_ =	shalt  }
0x5e: {  	_ =	shalt  }
0x5f: {  	_ =	shalt  }
0x60: {  	_ =	shalt  }
0x61: {  	_ =	shalt  }
0x62: {  	_ =	shalt  }
0x63: {  	_ =	shalt  }
0x64: {  	_ =	shalt  }
0x65: {  	_ =	shalt  }
0x66: {  	_ =	shalt  }
0x67: {  	_ =	shalt  }
0x68: {  	_ =	shalt  }
0x69: {  	_ =	shalt  }
0x6a: {  	_ =	shalt  }
0x6b: {  	_ =	shalt  }
0x6c: {  	_ =	shalt  }
0x6d: {  	_ =	shalt  }
0x6e: {  	_ =	shalt  }
0x6f: {  	_ =	shalt  }
0x70: {  	_ =	shalt  }
0x71: {  	_ =	shalt  }
0x72: {  	_ =	shalt  }
0x73: {  	_ =	shalt  }
0x74: {  	_ =	shalt  }
0x75: {  	_ =	shalt  }
0x76: {  	_ =	shalt  }
0x77: {  	_ =	shalt  }
0x78: {  	_ =	shalt  }
0x79: {  	_ =	shalt  }
0x7a: {  	_ =	shalt  }
0x7b: {  	_ =	shalt  }
0x7c: {  	_ =	shalt  }
0x7d: {  	_ =	shalt  }
0x7e: {  	_ =	shalt  }
0x7f: {  	_ =	shalt  }
0x80: {  	_ =	shalt  }
0x81: {  	_ =	shalt  }
0x82: {  	_ =	shalt  }
0x83: {  	_ =	shalt  }
0x84: {  	_ =	shalt  }
0x85: {  	_ =	shalt  }
0x86: {  	_ =	shalt  }
0x87: {  	_ =	shalt  }
.Lfunc_end0:
.L_simem_size_0:
called_computation_lowered:
.L_overlay_start_0:
0x88: {  	s2 =	sld [smem:$0x3FD9]  }
0x89: {  	s3 =	sld [smem:$0x3FFE];
	_ =	sdelay $0x1  }
0x8a: {  	s1 =	srdreg.scid  }
0x8b: {  	s0 =	sand.u32 $0x1, s1  }
0x8c: {  	s17 =	sshll.u32 s0, $0xA;
	s2 =	sadd.s32 s3, s2  }
0x8d: {  	s2 =	sadd.s32 s2, s17  }
0x8e: {  	[smem:$0x3FC5] =	sst s2  }
0x8f: {  	_ = 	snop  }
0x90: {  	s2 =	sld [smem:$0x3FD0];
	(tm) =	ssettm $0x1  }
0x91: {  	s18 =	sld [smem:$0x3FFB];
	_ =	sdelay $0x3  }
0x92: {  	_ =	strace s18  }
0x93: {  	s3 =	sld [smem:$0x3FFC];
	_ =	sdelay $0x3  }
0x94: {  	_ =	strace s3  }
0x95: {  	s3 =	sld [smem:$0x3FFD];
	_ =	sdelay $0x3  }
0x96: {  	_ =	strace s3  }
0x97: {  	_ =	strace $0x8FFFFFFF  }
0x98: {  	s19 =	sld [smem:$0x3FDB];
	_ =	sdelay $0x1  }
0x99: {  	s4 =	simm.s32 $_scs_section_size  }
0x9a: {  	s5 =	simm.s32 $_size__tile_overlayer_lowered;
	s6 =	simm.s32 $_tile_overlayer_lowered  }
0x9b: {  	s22 =	simm.s32 $0x1BFF;
	s21 =	sshll.u32 s6, $0x1;
	s3 =	sadd.s32 s4, s19  }
0x9c: {  	s7 =	simm.s32 $0x0;
	s20 =	sshll.u32 s5, $0x1;
	s5 =	sadd.s32 s21, s3  }
0x9d: {  	[timem:s7], [sflag:s22] =	dma.local [hbm:s5], s20  }
0x9e: {  	_ =	swait.ge [sflag:s22], s20  }
0x9f: {  	s4 =	ssub.s32 $0x0, s20;
	[sflag:s22] =	ssyncset.done $0x0  }
0xa0: {  	[sflag:s22] =	ssyncadd.s32 s4;
	_ =	sdelay $0x1  }
0xa1: {  	s23 =	simm.s32 $0x1B8B  }
0xa2: {  	_ =	swait.ge [sflag:s23], $0x1  }
0xa3: {  	[sflag:s23] =	ssyncset.done $0x0  }
0xa4: {  	s25 =	simm.s32 $0x1B8E;
	s24 =	sld [smem:$0x3FFE];
	[sflag:s23] =	ssyncadd.s32 $0xFFFFFFFF  }
0xa5: {  	s26 =	simm.s32 $execute0_lowered;
	[smem:$0x3FD2] =	sst s25  }
0xa6: {  	s5 =	sshll.u32 s26, $0x1;
	_ =	strace $0x80000046;
	[dreg:$0x1] =	wrdreg $0xFFFFFFFF  }
0xa7: {  	s28 =	simm.s32 $_size_execute0_lowered;
	s3 =	sadd.s32 s3, s5;
	[dreg:$0x0] =	wrdreg $0x0  }
0xa8: {  	s5 =	sshll.u32 s28, $0x1;
	[dreg:$0x2] =	wrdreg s3  }
0xa9: {  	[dreg:$0x3] =	wrdreg s5  }
0xaa: {  	[dreg:$0x4] =	wrdreg $0xC0  }
0xab: {  	_ =	task [dreg:s7], $0x5FFFF  }
0xac: {  	[dreg:$0x1] =	wrdreg $0xFFFFFFFF  }
0xad: {  	[dreg:$0x0] =	wrdreg $0x60  }
0xae: {  	[dreg:$0x2] =	wrdreg s24  }
0xaf: {  	[dreg:$0x3] =	wrdreg s2  }
0xb0: {  	[dreg:$0x4] =	wrdreg $0x9  }
0xb1: {  	_ =	task.clear_ibuf [dreg:s7], $0x5FFFF;
	_ =	strace $0x90000046  }
0xb2: {  	s29 =	simm.s32 $0x9;
	_ =	strace $0x80000048  }
0xb3: {  	_ =	swait.ge [sflag:s29], $0x1  }
0xb4: {  	[sflag:s29] =	ssyncadd.s32 $0xFFFFFFFF  }
0xb5: {  	_ =	strace $0x90000048  }
0xb6: {  	_ =	sfence  }
0xb7: {  	s30 =	sld [smem:$0x0];
	_ =	sdelay $0x2  }
0xb8: {  	s31 =	sshll.u32 s1, $0xD;
	s1 =	sshrl.u32 s1, $0x2  }
0xb9: {  	s3 =	sand.u32 $0x4000, s31;
	s1 =	sadd.s32 s1, s30  }
0xba: {  	s0 =	sor.u32 s3, s0;
	s1 =	sshll.u32 s1, $0x11  }
0xbb: {  	s0 =	sor.u32 s1, s0  }
0xbc: {  	s0 =	sadd.s32 $0x8F2B, s0  }
0xbd: {  	[sflag:s0] =	ssyncadd.remote.s32 $0x1  }
0xbe: {  	_ =	sfence.sel $0xFFFF  }
0xbf: {  	[dreg:$0x0] =	wrdreg $0xFFFFFFFF;
	(pc) =	sbr.abs _section_cstart, $3  }
0xc0: {  	[dreg:$0x1] =	wrdreg $0xFFFFFFFF  }
0xc1: {  	_ =	task.clear_ibuf [dreg:s7], $0x2FFFF;
	_ =	strace $0x9FFFFFFF  }
0xc2: {  	(tm) =	ssettm $0x7FFFFFFF  }
0xc3: {  	_ =	shalt  }
tec
execute0_lowered:
.L_overlay_start_1:
0x0: {  	(tag) =	ssettag $0x1  }
0x1: {  	s0 =	srdreg.scid  }
0x2: {  	s1 =	sand.u32 $0x1, s0  }
0x3: {  	s0 =	stileid.u32;
	p0 =	seq.s32 s1, $0x1  }
0x4: {  	s1 =	sshll.u32 @!p0 s0, $0x3  }
0x5: {  	v0 =	vmov @!p0 s1  }
0x6: {  	v1 =	vlaneseq.u32 @!p0;
	v0 =	vbroadcast @!p0 v0, $0x0  }
0x7: {  	v2 =	vshrl.u32 @!p0 v1, $0x2  }
0x8: {  	v3 =	vor.u32 @!p0 v2, v0  }
0x9: {  	v4 =	vmulhi.u32 @!p0 $0x51EB851F, v3;
	_ =	sdelay $0x1  }
0xa: {  	v4 =	vshrl.u32 @!p0 v4, $0x4  }
0xb: {  	v1 =	vand.u32 @!p0 $0x3, v1;
	v5 =	vmul.u32 @!p0 $0xFFFFFFCE, v4  }
0xc: {  	v7 =	vmul.u32 @!p0 $0x4, v1  }
0xd: {  	s4 =	rddreg [dreg:$0x0];
	v2 =	vor.u32 @!p0 $0x4, v2;
	v6 =	vmul.u32 @!p0 $0x320, v3;
	v5 =	vadd.s32 @!p0 v3, v5  }
0xe: {  	s2 =	rddreg [dreg:$0x1];
	s3 =	simm.s32 $0x0;
	v0 =	vor.u32 @!p0 v2, v0;
	v3 =	vshll.u32 @!p0 v3, $0x4;
	v2 =	vshll.u32 @!p0 v5, $0x2  }
0xf: {  	[smem:$0x7FF] =	sst s3;
	v11 =	vor.u32 @!p0 v7, v3;
	v2 =	vadd.s32 @!p0 v2, v6  }
0x10: {  	s1 =	rddreg [dreg:$0x2];
	_ =	strace $0x80000047;
	v5 =	vmulhi.u32 @!p0 $0x51EB851F, v0;
	[tilespmem:$0x80] =	vst @!p0 v11;
	v11 =	vor.u32 @!p0 $0x258, v1;
	v6 =	vor.u32 @!p0 v1, v2  }
0x11: {  	v2 =	vadd.s32 @!p0 v11, v2;
	v6 =	vshll.u32 @!p0 v6, $0x2  }
0x12: {  	v5 =	vshrl.u32 @!p0 v5, $0x4;
	v2 =	vshll.u32 @!p0 v2, $0x2;
	v9 =	vor.u32 @!p0 v4, v6  }
0x13: {  	v8 =	vmul.u32 @!p0 $0xFFFFFFCE, v5;
	v6 =	vadd.s32 @!p0 v4, v6;
	v2 =	vor.u32 @!p0 v4, v2;
	[tilespmem:$0x0] =	vst @!p0 v9  }
0x14: {  	v10 =	vmul.u32 @!p0 $0x320, v0;
	v12 =	vadd.s32 @!p0 $0x320, v6;
	[tilespmem:$0x30] =	vst @!p0 v2  }
0x15: {  	v8 =	vadd.s32 @!p0 v0, v8;
	v9 =	vor.u32 @!p0 $0x1, v7;
	v6 =	vadd.s32 @!p0 $0x640, v6;
	[tilespmem:$0x10] =	vst @!p0 v12  }
0x16: {  	v8 =	vshll.u32 @!p0 v8, $0x2;
	v13 =	vor.u32 @!p0 v9, v3;
	v12 =	vor.u32 @!p0 $0x2, v7;
	[tilespmem:$0x20] =	vst @!p0 v6  }
0x17: {  	v6 =	vor.u32 @!p0 $0x3, v7;
	[tilespmem:$0x90] =	vst @!p0 v13;
	v8 =	vadd.s32 @!p0 v8, v10;
	v10 =	vor.u32 @!p0 v12, v3  }
0x18: {  	v0 =	vshll.u32 @!p0 v0, $0x4;
	v3 =	vor.u32 @!p0 v6, v3;
	[tilespmem:$0xA0] =	vst @!p0 v10  }
0x19: {  	v1 =	vor.u32 @!p0 v1, v8;
	[tilespmem:$0xB0] =	vst @!p0 v3;
	v3 =	vor.u32 @!p0 v7, v0  }
0x1a: {  	v1 =	vshll.u32 @!p0 v1, $0x2;
	[tilespmem:$0xC0] =	vst @!p0 v3;
	v3 =	vor.u32 @!p0 v9, v0  }
0x1b: {  	v2 =	vor.u32 @!p0 v5, v1;
	[tilespmem:$0xD0] =	vst @!p0 v3  }
0x1c: {  	v1 =	vadd.s32 @!p0 v5, v1;
	v3 =	vor.u32 @!p0 v12, v0;
	[tilespmem:$0x40] =	vst @!p0 v2  }
0x1d: {  	v2 =	vadd.s32 @!p0 $0x320, v1;
	[tilespmem:$0xE0] =	vst @!p0 v3  }
0x1e: {  	v0 =	vor.u32 @!p0 v6, v0;
	[tilespmem:$0x50] =	vst @!p0 v2;
	v2 =	vadd.s32 @!p0 v11, v8  }
0x1f: {  	v1 =	vadd.s32 @!p0 $0x640, v1;
	[tilespmem:$0xF0] =	vst @!p0 v0;
	v2 =	vshll.u32 @!p0 v2, $0x2  }
0x20: {  	s6 =	sadd.s32 $0x190C00, s4;
	s7 =	sadd.s32 $0xC00, s4;
	[tilespmem:$0x60] =	vst @!p0 v1;
	v1 =	vor.u32 @!p0 v5, v2  }
0x21: {  	s8 =	simm.s32 @!p0 $0x80;
	s5 =	simm.s32 @!p0 $0x0;
	s9 =	simm.s32 @!p0 $0x100;
	[tilespmem:$0x70] =	vst @!p0 v1  }
0x22: {  	[tilespmem:s9], [sflag:$0x1] =	stream.indirect.gather @!p0 [hbm4b:s6+s8], $0x1, s5, s8, $0xb8;
	[tilespmem:$0x1400] =	vst v63  }
0x23: {  	s10 =	simm.s32 @!p0 $0x180;
	s6 =	sadd.s32 $0xE00, s4;
	s9 =	sshll.u32 @!p0 s0, $0x4  }
0x24: {  	[tilespmem:s10], [sflag:$0x2] =	stream.indirect.gather @!p0 [hbm4b:s7+s8], $0x1, s8, s8, $0xb8;
	[tilespmem:$0x1400] =	vst v63  }
0x25: {  	s6 =	sadd.s32 @!p0 s6, s9;
	s7 =	simm.s32 @!p0 $0x200  }
0x26: {  	[tilespmem:s7], [sflag:$0x3] =	stream.linear.gather @!p0 [hbm4b:s6+s5], $0x80, $0x38;
	[tilespmem:$0x1400] =	vst v63  }
0x27: {  	s6 =	simm.s32 @!p0 $0x3  }
0x28: {  	_ =	swait.ge @!p0 [sflag:s6], $0x80  }
0x29: {  	[sflag:s6] =	ssyncset.done @!p0 $0x0  }
0x2a: {  	s7 =	simm.s32 @!p0 $0x1;
	[sflag:s6] =	ssyncadd.s32 @!p0 $0xFFFFFF80  }
0x2b: {  	_ =	swait.ge @!p0 [sflag:s7], $0x80  }
0x2c: {  	[sflag:s7] =	ssyncset.done @!p0 $0x0  }
0x2d: {  	[sflag:s7] =	ssyncadd.s32 @!p0 $0xFFFFFF80;
	s7 =	simm.s32 @!p0 $0x2  }
0x2e: {  	_ =	swait.ge @!p0 [sflag:s7], $0x80  }
0x2f: {  	[sflag:s7] =	ssyncset.done @!p0 $0x0  }
0x30: {  	[sflag:s7] =	ssyncadd.s32 @!p0 $0xFFFFFF80  }
0x31: {  	v0 =	vld @!p0 [tilespmem:$0x100]  }
0x32: {  	v1 =	vld @!p0 [tilespmem:$0x110]  }
0x33: {  	v2 =	vld @!p0 [tilespmem:$0x120]  }
0x34: {  	v3 =	vld @!p0 [tilespmem:$0x130]  }
0x35: {  	v4 =	vld @!p0 [tilespmem:$0x180]  }
0x36: {  	v5 =	vld @!p0 [tilespmem:$0x190]  }
0x37: {  	v6 =	vld @!p0 [tilespmem:$0x1A0]  }
0x38: {  	v7 =	vld @!p0 [tilespmem:$0x1B0];
	_ =	sdelay $0x3  }
0x39: {  	v12 =	vld @!p0 [tilespmem:$0x160];
	v8 =	vmin.f32 @!p0 v0, v4;
	v9 =	vmin.f32 @!p0 v1, v5  }
0x3a: {  	v15 =	vld @!p0 [tilespmem:$0x170];
	v10 =	vmin.f32 @!p0 v2, v6;
	v11 =	vmin.f32 @!p0 v3, v7;
	v13 =	vadd.f32 @!p0 v2, v0  }
0x3b: {  	v17 =	vld @!p0 [tilespmem:$0x1C0];
	v14 =	vadd.f32 @!p0 v3, v1;
	v0 =	vmax.f32 @!p0 v0, v4;
	v4 =	vadd.f32 @!p0 v6, v4  }
0x3c: {  	v16 =	vadd.f32 @!p0 v7, v5;
	v2 =	vmax.f32 @!p0 v2, v6;
	v8 =	vadd.f32 @!p0 v10, v8;
	v10 =	vld @!p0 [tilespmem:$0x140]  }
0x3d: {  	v9 =	vadd.f32 @!p0 v11, v9;
	v11 =	vld @!p0 [tilespmem:$0x150];
	v0 =	vadd.f32 @!p0 v2, v0  }
0x3e: {  	v1 =	vmax.f32 @!p0 v1, v5;
	v2 =	vld @!p0 [tilespmem:$0x1F0];
	v5 =	vadd.f32 @!p0 $1.000000000e+00, v13;
	v13 =	vadd.f32 @!p0 $1.000000000e+00, v14  }
0x3f: {  	v14 =	vld @!p0 [tilespmem:$0x1E0];
	v4 =	vadd.f32 @!p0 $1.000000000e+00, v4;
	v6 =	vadd.f32 @!p0 $1.000000000e+00, v16  }
0x40: {  	v3 =	vmax.f32 @!p0 v3, v7;
	v16 =	vld @!p0 [tilespmem:$0x1D0];
	v8 =	vadd.f32 @!p0 $1.000000000e+00, v8;
	v9 =	vadd.f32 @!p0 $1.000000000e+00, v9  }
0x41: {  	v1 =	vadd.f32 @!p0 v3, v1;
	v5 =	vmul.f32 @!p0 v13, v5;
	v4 =	vmul.f32 @!p0 v6, v4  }
0x42: {  	v0 =	vadd.f32 @!p0 $1.000000000e+00, v0;
	v7 =	vmax.f32 @!p0 v8, $0.0e+00;
	v8 =	vmax.f32 @!p0 v9, $0.0e+00  }
0x43: {  	v1 =	vadd.f32 @!p0 $1.000000000e+00, v1;
	v3 =	vmul.f32 @!p0 v8, v7;
	v4 =	vadd.f32 @!p0 v4, v5  }
0x44: {  	v5 =	vmin.f32 @!p0 v10, v17;
	v7 =	vmin.f32 @!p0 v15, v2;
	v8 =	vadd.f32 @!p0 v15, v11  }
0x45: {  	v9 =	vmax.f32 @!p0 v10, v17;
	v6 =	vmin.f32 @!p0 v12, v14;
	v13 =	vadd.f32 @!p0 v2, v16  }
0x46: {  	v5 =	vadd.f32 @!p0 v6, v5;
	v4 =	vsub.f32 @!p0 v4, v3;
	v6 =	vmin.f32 @!p0 v11, v16  }
0x47: {  	v2 =	vmax.f32 @!p0 v15, v2;
	v8 =	vadd.f32 @!p0 $1.000000000e+00, v8;
	v6 =	vadd.f32 @!p0 v7, v6  }
0x48: {  	v11 =	vmax.f32 @!p0 v11, v16;
	v7 =	vadd.f32 @!p0 v12, v10;
	v10 =	vadd.f32 @!p0 v14, v17  }
0x49: {  	v0 =	vmax.f32 @!p0 v0, $0.0e+00;
	v13 =	vadd.f32 @!p0 $1.000000000e+00, v13;
	v2 =	vadd.f32 @!p0 v2, v11  }
0x4a: {  	v1 =	vmax.f32 @!p0 v1, $0.0e+00;
	v7 =	vadd.f32 @!p0 $1.000000000e+00, v7;
	v10 =	vadd.f32 @!p0 $1.000000000e+00, v10  }
0x4b: {  	v12 =	vmax.f32 @!p0 v12, v14;
	v5 =	vadd.f32 @!p0 $1.000000000e+00, v5;
	v6 =	vadd.f32 @!p0 $1.000000000e+00, v6  }
0x4c: {  	v9 =	vadd.f32 @!p0 v12, v9;
	v7 =	vmul.f32 @!p0 v8, v7;
	v8 =	vmul.f32 @!p0 v13, v10  }
0x4d: {  	v2 =	vadd.f32 @!p0 $1.000000000e+00, v2;
	v5 =	vmax.f32 @!p0 v5, $0.0e+00;
	v6 =	vmax.f32 @!p0 v6, $0.0e+00  }
0x4e: {  	v9 =	vadd.f32 @!p0 $1.000000000e+00, v9;
	v5 =	vmul.f32 @!p0 v6, v5;
	v6 =	vadd.f32 @!p0 v8, v7  }
0x4f: {  	v0 =	vmul.f32 @!p0 v1, v0;
	(erf) = vrcp.f32 @!p0 v4  }
0x50: {  	v2 =	vmax.f32 @!p0 v2, $0.0e+00;
	v1 =	vmax.f32 @!p0 v9, $0.0e+00;
	v6 =	vsub.f32 @!p0 v6, v5  }
0x51: {  	(erf) = vrcp.f32 @!p0 v0;
	v1 =	vmul.f32 @!p0 v2, v1  }
0x52: {  	(erf) = vrcp.f32 @!p0 v6  }
0x53: {  	(erf) = vrcp.f32 @!p0 v1;
	_ =	sdelay $0x5  }
0x54: {  	v2 =	vpop @!p0 (erf)  }
0x55: {  	v7 =	vpop @!p0 (erf);
	v8 =	vmul.f32 @!p0 v2, v4  }
0x56: {  	v9 =	vpop @!p0 (erf)  }
0x57: {  	v10 =	vmul.f32 @!p0 v7, v0;
	v8 =	vsub.f32 @!p0 $2.000000000e+00, v8;
	v11 =	vpop @!p0 (erf)  }
0x58: {  	v14 =	vld @!p0 [tilespmem:$0x200];
	v12 =	vmul.f32 @!p0 v9, v6;
	v13 =	vmul.f32 @!p0 v11, v1  }
0x59: {  	v2 =	vmul.f32 @!p0 v8, v2;
	v8 =	vsub.f32 @!p0 $2.000000000e+00, v10  }
0x5a: {  	v10 =	vsub.f32 @!p0 $2.000000000e+00, v12;
	v12 =	vsub.f32 @!p0 $2.000000000e+00, v13;
	v13 =	vld @!p0 [tilespmem:$0x210]  }
0x5b: {  	v15 =	vmul.f32 @!p0 v2, v4;
	v7 =	vmul.f32 @!p0 v8, v7  }
0x5c: {  	v8 =	vmul.f32 @!p0 v10, v9;
	v10 =	vld @!p0 [tilespmem:$0x220];
	v9 =	vmul.f32 @!p0 v12, v11  }
0x5d: {  	v11 =	vmul.f32 @!p0 v7, v0;
	v12 =	vadd.f32 @!p0 $0.0e+00, v14  }
0x5e: {  	v17 =	vld @!p0 [tilespmem:$0x230];
	v14 =	vsub.f32 @!p0 $2.000000000e+00, v15;
	v15 =	vmul.f32 @!p0 v8, v6;
	v16 =	vmul.f32 @!p0 v9, v1  }
0x5f: {  	v11 =	vsub.f32 @!p0 $2.000000000e+00, v11;
	v12 =	vadd.f32 @!p0 v13, v12  }
0x60: {  	v2 =	vmul.f32 @!p0 v14, v2;
	v13 =	vsub.f32 @!p0 $2.000000000e+00, v15;
	v15 =	vld @!p0 [tilespmem:$0x240];
	v14 =	vsub.f32 @!p0 $2.000000000e+00, v16  }
0x61: {  	v0 =	vsub.f32 @!p0 v0, v4;
	v4 =	vmul.f32 @!p0 v11, v7;
	v7 =	vadd.f32 @!p0 v10, v12  }
0x62: {  	v1 =	vsub.f32 @!p0 v1, v6;
	v8 =	vmul.f32 @!p0 v13, v8;
	v6 =	vmul.f32 @!p0 v14, v9;
	v9 =	vld @!p0 [tilespmem:$0x250]  }
0x63: {  	v2 =	vmul.f32 @!p0 v2, v3;
	v0 =	vmul.f32 @!p0 v4, v0;
	v3 =	vadd.f32 @!p0 v17, v7  }
0x64: {  	v4 =	vmul.f32 @!p0 v8, v5;
	v5 =	vld @!p0 [tilespmem:$0x260];
	v1 =	vmul.f32 @!p0 v6, v1  }
0x65: {  	v3 =	vadd.f32 @!p0 v15, v3  }
0x66: {  	v0 =	vsub.f32 @!p0 v0, v2;
	v2 =	vld @!p0 [tilespmem:$0x270];
	v1 =	vsub.f32 @!p0 v1, v4  }
0x67: {  	v3 =	vadd.f32 @!p0 v9, v3  }
0x68: {  	v0 =	vadd.f32 @!p0 $1.000000000e+00, v0;
	v1 =	vadd.f32 @!p0 $1.000000000e+00, v1  }
0x69: {  	v3 =	vadd.f32 @!p0 v5, v3  }
0x6a: {  	v0 =	vadd.f32 @!p0 v1, v0  }
0x6b: {  	v1 =	vadd.f32 @!p0 v2, v3  }
0x6c: {  	p1 =	sne.s32 @!p0 s0, $0x0;
	s4 =	sadd.s32 $0x1000, s4;
	s7 =	sshll.u32 @!p0 s0, $0x5;
	[tilespmem:$0x280] =	vst @!p0 v0  }
0x6d: {  	p1 =	por p0, p1;
	s8 =	simm.s32 @!p0 $0x280;
	s7 =	sadd.s32 @!p0 s4, s7;
	[tilespmem:$0x300] =	vst @!p0 v1  }
0x6e: {  	[hbm4b:s7+s5] =	stream.linear.scatter @!p0 [tilespmem:s8], [sflag:$0x3], $0x100, $0x38;
	[tilespmem:$0x1400] =	vst v63  }
.Ltmp0:
0x6f: {  	_ =	swait.ge @!p0 [sflag:s6], $0x100;
	(pc) =	sbr.rel @p1 .LBB2_2-.Ltmp0, $3  }
0x70: {  	[sflag:s6] =	ssyncset.done @!p0 $0x0  }
0x71: {  	[sflag:s6] =	ssyncadd.s32 @!p0 $0xFFFFFF00  }
0x72: {  	[bflag:$0x0] =	sbarrier.arrive @!p0 $0xFFFF;
	_ =	sdelay $0x1  }
0x73: {  	s5 =	simm.s32 $0x380;
	s30 =	simm.s32 $0x3  }
0x74: {  	[tilespmem:s5], [sflag:$0x3] =	stream.linear.gather [hbm4b:s4+s3], $0x1000, $0x38;
	[tilespmem:$0x1400] =	vst v63  }
0x75: {  	_ =	swait.ge [sflag:s30], $0x1000  }
0x76: {  	[sflag:s30] =	ssyncset.done $0x0  }
0x77: {  	[sflag:s30] =	ssyncadd.s32 $0xFFFFF000  }
0x78: {  	v0 =	vld [tilespmem:$0x380];
	_ =	sdelay $0x1  }
0x79: {  	v1 =	vld [tilespmem:$0x480];
	_ =	sdelay $0x1  }
0x7a: {  	v2 =	vld [tilespmem:$0x580]  }
0x7b: {  	v0 =	vadd.f32 $0.0e+00, v0  }
0x7c: {  	v3 =	vld [tilespmem:$0x680]  }
0x7d: {  	v0 =	vadd.f32 v1, v0  }
0x7e: {  	v14 =	vld [tilespmem:$0x780]  }
0x7f: {  	v0 =	vadd.f32 v2, v0  }
0x80: {  	v15 =	vld [tilespmem:$0x880]  }
0x81: {  	v0 =	vadd.f32 v3, v0  }
0x82: {  	v16 =	vld [tilespmem:$0x980]  }
0x83: {  	v0 =	vadd.f32 v14, v0  }
0x84: {  	v17 =	vld [tilespmem:$0xA80]  }
0x85: {  	v0 =	vadd.f32 v15, v0  }
0x86: {  	v18 =	vld [tilespmem:$0xB80]  }
0x87: {  	v0 =	vadd.f32 v16, v0  }
0x88: {  	v19 =	vld [tilespmem:$0xC80]  }
0x89: {  	v0 =	vadd.f32 v17, v0  }
0x8a: {  	v20 =	vld [tilespmem:$0xD80]  }
0x8b: {  	v0 =	vadd.f32 v18, v0  }
0x8c: {  	v21 =	vld [tilespmem:$0xE80]  }
0x8d: {  	v0 =	vadd.f32 v19, v0  }
0x8e: {  	v22 =	vld [tilespmem:$0xF80]  }
0x8f: {  	v4 =	vld [tilespmem:$0x400];
	v0 =	vadd.f32 v20, v0  }
0x90: {  	v5 =	vimm.s32 $0xEFCDAB89;
	v6 =	vimm.s32 $0x67452301;
	v23 =	vld [tilespmem:$0x1080]  }
0x91: {  	v24 =	vunpack.c.l.s4.s8 v5;
	v25 =	vunpack.c.l.s4.s8 v6;
	v7 =	vld [tilespmem:$0x500];
	v0 =	vadd.f32 v21, v0  }
0x92: {  	v26 =	vld [tilespmem:$0x1180]  }
0x93: {  	v27 =	vunpack.c.0.s8.s32 v25;
	v8 =	vld [tilespmem:$0x600];
	v2 =	vunpack.c.0.s8.s32 v24;
	v0 =	vadd.f32 v22, v0  }
0x94: {  	v28 =	vld [tilespmem:$0x1280];
	v4 =	vadd.f32 $0.0e+00, v4  }
0x95: {  	v9 =	vld [tilespmem:$0x700];
	v29 =	vcombine.low v27, v2;
	v0 =	vadd.f32 v23, v0  }
0x96: {  	v30 =	vadd.f32 v7, v4  }
0x97: {  	v31 =	vld [tilespmem:$0x800];
	v1 =	vand.u32 $0xF, v29;
	v0 =	vadd.f32 v26, v0  }
0x98: {  	v32 =	vimm.s32 $0xDCFE98BA;
	v33 =	vimm.s32 $0x54761032;
	v2 =	vadd.f32 v8, v30  }
0x99: {  	v35 =	vunpack.c.l.s4.s8 v33;
	v34 =	vld [tilespmem:$0x900];
	v4 =	vunpack.c.l.s4.s8 v32;
	v0 =	vadd.f32 v28, v0  }
0x9a: {  	v2 =	vadd.f32 v9, v2  }
0x9b: {  	s31 =	simm.s32 $0x1380;
	v5 =	vunpack.c.0.s8.s32 v35;
	v36 =	vld [tilespmem:$0xA00];
	v4 =	vunpack.c.0.s8.s32 v4;
	[tilespmem:$0x1380] =	vst v0  }
0x9c: {  	v2 =	vadd.f32 v31, v2;
	v37 =	vld.idx.msk [tilespmem:v1+s31+$0x0], $0xffff  }
0x9d: {  	v38 =	vld [tilespmem:$0xB00];
	v4 =	vcombine.low v5, v4  }
0x9e: {  	v2 =	vadd.f32 v34, v2  }
0x9f: {  	v39 =	vld [tilespmem:$0xC00];
	v4 =	vand.u32 $0xF, v4  }
0xa0: {  	v40 =	vimm.s32 $0xBA98FEDC;
	v41 =	vimm.s32 $0x32107654;
	v2 =	vadd.f32 v36, v2  }
0xa1: {  	v43 =	vunpack.c.l.s4.s8 v40;
	v44 =	vunpack.c.l.s4.s8 v41;
	v42 =	vld [tilespmem:$0xD00];
	v0 =	vadd.f32 v37, v0  }
0xa2: {  	v2 =	vadd.f32 v38, v2  }
0xa3: {  	v6 =	vunpack.c.0.s8.s32 v44;
	v45 =	vld [tilespmem:$0xE00];
	v3 =	vunpack.c.0.s8.s32 v43;
	[tilespmem:$0x1380] =	vst v0  }
0xa4: {  	v2 =	vadd.f32 v39, v2;
	v46 =	vld.idx.msk [tilespmem:v4+s31+$0x0], $0xffff  }
0xa5: {  	v47 =	vld [tilespmem:$0xF00];
	v3 =	vcombine.low v6, v3  }
0xa6: {  	v2 =	vadd.f32 v42, v2  }
0xa7: {  	v48 =	vld [tilespmem:$0x1000];
	v3 =	vand.u32 $0xF, v3  }
0xa8: {  	v49 =	vimm.s32 $0xFEDCBA98;
	v2 =	vadd.f32 v45, v2  }
0xa9: {  	v50 =	vimm.s32 $0x76543210;
	v51 =	vld [tilespmem:$0x1100];
	v8 =	vunpack.c.l.s4.s8 v49;
	v0 =	vadd.f32 v46, v0  }
0xaa: {  	v5 =	vunpack.c.l.s4.s8 v50;
	v2 =	vadd.f32 v47, v2  }
0xab: {  	v52 =	vld [tilespmem:$0x1200];
	v8 =	vunpack.c.0.s8.s32 v8;
	[tilespmem:$0x1380] =	vst v0  }
0xac: {  	v5 =	vunpack.c.0.s8.s32 v5;
	v2 =	vadd.f32 v48, v2;
	v10 =	vld.idx.msk [tilespmem:v3+s31+$0x0], $0xffff  }
0xad: {  	v54 =	vld [tilespmem:$0x1300];
	v53 =	vand.u32 $0xF, v8  }
0xae: {  	v5 =	vcombine.low v53, v5;
	v2 =	vadd.f32 v51, v2;
	_ =	sdelay $0x1  }
0xaf: {  	v2 =	vadd.f32 v52, v2  }
0xb0: {  	v0 =	vadd.f32 v10, v0  }
0xb1: {  	v2 =	vadd.f32 v54, v2  }
0xb2: {  	[tilespmem:$0x1380] =	vst v0  }
0xb3: {  	v55 =	vld.idx.msk [tilespmem:v5+s31+$0x0], $0xffff;
	[tilespmem:$0x1380] =	vst v2  }
0xb4: {  	v1 =	vld.idx.msk [tilespmem:v1+s31+$0x0], $0xffff;
	_ =	sdelay $0x4  }
0xb5: {  	v1 =	vadd.f32 v1, v2;
	_ =	sdelay $0x1  }
0xb6: {  	[tilespmem:$0x1380] =	vst v1  }
0xb7: {  	v56 =	vld.idx.msk [tilespmem:v4+s31+$0x0], $0xffff;
	_ =	sdelay $0x4  }
0xb8: {  	v1 =	vadd.f32 v56, v1;
	_ =	sdelay $0x1  }
0xb9: {  	[tilespmem:$0x1380] =	vst v1  }
0xba: {  	v57 =	vld.idx.msk [tilespmem:v3+s31+$0x0], $0xffff;
	_ =	sdelay $0x4  }
0xbb: {  	v1 =	vadd.f32 v57, v1;
	_ =	sdelay $0x1  }
0xbc: {  	[tilespmem:$0x1380] =	vst v1  }
0xbd: {  	v58 =	vld.idx.msk [tilespmem:v5+s31+$0x0], $0xffff;
	_ =	sdelay $0x4  }
0xbe: {  	v1 =	vadd.f32 v58, v1;
	_ =	sdelay $0x1  }
0xbf: {  	(erf) = vrcp.f32 v1;
	_ =	sdelay $0x8  }
0xc0: {  	v59 =	vld [tilespmem:$0x200];
	v60 =	vpop (erf)  }
0xc1: {  	v61 =	vmul.f32 v60, v1;
	_ =	sdelay $0x1  }
0xc2: {  	v4 =	vsub.f32 $2.000000000e+00, v61;
	_ =	sdelay $0x1  }
0xc3: {  	[tilespmem:$0x1380] =	vst v59;
	v62 =	vmul.f32 v4, v60  }
0xc4: {  	v63 =	vld.msk [tilespmem:s31+$0x0], $0xffff  }
0xc5: {  	v0 =	vadd.f32 v55, v0;
	v1 =	vmul.f32 v62, v1;
	_ =	sdelay $0x1  }
0xc6: {  	v0 =	vmul.f32 $4.000000000e+00, v0;
	v1 =	vsub.f32 $2.000000000e+00, v1;
	_ =	sdelay $0x1  }
0xc7: {  	v0 =	vmul.f32 v63, v0;
	v1 =	vmul.f32 v1, v62;
	_ =	sdelay $0x1  }
0xc8: {  	v0 =	vmul.f32 v1, v0;
	_ =	sdelay $0x1  }
0xc9: {  	[tilespmem:$0x1380] =	vst v0  }
0xca: {  	[hbm4b:s2+s3] =	stream.linear.scatter [tilespmem:s31], [sflag:$0x3], $0x80, $0x38;
	[tilespmem:$0x1400] =	vst v63  }
0xcb: {  	_ =	swait.ge [sflag:s30], $0x80  }
0xcc: {  	[sflag:s30] =	ssyncset.done $0x0  }
0xcd: {  	[sflag:s30] =	ssyncadd.s32 $0xFFFFFF80  }
.LBB2_2:
0xce: {  	_ =	sfence.sel $0x180000  }
0xcf: {  	[bflag:$0x0] =	sbarrier.arrive $0xFFFF  }
0xd0: {  	p0 =	sne.s32 s0, $0x0;
	_ =	strace $0x90000047  }
0xd1: {  	s0 =	sadd.s32 @!p0 $0x100000, s1;
	[bflag:$0x2] =	sbarrier.arrive $0xFFFF  }
0xd2: {  	[sflag:s0] =	ssyncadd.tile.s32 @!p0 $0x1;
	_ =	shalt  }
.Lfunc_end2:
_tile_overlayer_lowered:
.L_overlay_start_2:
0xd3: {  	(tag) =	ssettag $0x2  }
0xd4: {  	s0 =	rddreg [dreg:$0x0];
	s2 =	stileid.u32  }
0xd5: {  	s1 =	rddreg [dreg:$0x1];
	p0 =	sne.s32 s2, $0x0  }
0xd6: {  	s3 =	rddreg [dreg:$0x2];
	[bflag:$0x3] =	sbarrier.arrive $0xFFFF;
	s2 =	simm.s32 @!p0 $0x1C03  }
0xd7: {  	[timem:s3], [sflag:s2] =	dma.local @!p0 [hbm:s0], s1  }
0xd8: {  	s0 =	simm.s32 @!p0 $0x3  }
0xd9: {  	_ =	swait.ge @!p0 [sflag:s0], s1  }
0xda: {  	s1 =	ssub.s32 @!p0 $0x0, s1;
	[sflag:s0] =	ssyncset.done @!p0 $0x0  }
0xdb: {  	[sflag:s0] =	ssyncadd.s32 @!p0 s1  }
0xdc: {  	[bflag:$0x3] =	sbarrier.arrive $0xFFFF  }
0xdd: {  	_ =	shalt  }

</sc_bundles>
